<compile_context>
chip_gen: v7x
topology: tpu7x:2x2x1
jax: 0.10.2.dev20260603
libtpu: 0.0.44.dev20260713+nightly
codegen_flags: <defaults>
</compile_context>

<pallas_src>
import functools

import jax
import jax.numpy as jnp
from jax import lax
from jax.experimental import pallas as pl
from jax.experimental.pallas import tpu as pltpu
from jax.experimental.pallas import tpu_sc as plsc

N0, N1, N2 = 1024, 16384, 262144
D = 128
FAN = 16
C = 40

_NC, _NS = 2, 16
_NW = _NC * _NS
_CHUNK_OUT = 16
_CHUNK_IN = _CHUNK_OUT * FAN


def _sc_sum2_body(x2_hbm, sum2_hbm, in0, in1, out_v, sem0, sem1):
    wid = lax.axis_index("s") * _NC + lax.axis_index("c")
    rows_out = N1 // _NW
    chunks = rows_out // _CHUNK_OUT
    ins = (in0, in1)
    sems = (sem0, sem1)

    def in_slice(c):
        return x2_hbm.at[pl.ds((wid * rows_out + c * _CHUNK_OUT) * FAN, _CHUNK_IN)]

    pltpu.async_copy(in_slice(0), ins[0], sems[0])

    def pair_body(c2, carry):
        for b in range(2):
            c = c2 * 2 + b

            @pl.when(c + 1 < chunks)
            def _():
                pltpu.async_copy(in_slice(c + 1), ins[1 - b], sems[1 - b])

            pltpu.make_async_copy(in_slice(c), ins[b], sems[b]).wait()
            in_v = ins[b]

            def row_body(r, rc):
                row0 = r * FAN
                for j in range(D // 16):
                    cols = pl.ds(j * 16, 16)
                    v = [in_v[row0 + n, cols] for n in range(FAN)]
                    while len(v) > 1:
                        v = [a + bb for a, bb in zip(v[::2], v[1::2])]
                    out_v[r, cols] = v[0]
                return rc

            lax.fori_loop(0, _CHUNK_OUT, row_body, 0)
            out_base = wid * rows_out + c * _CHUNK_OUT
            pltpu.sync_copy(out_v, sum2_hbm.at[pl.ds(out_base, _CHUNK_OUT)])
        return carry

    lax.fori_loop(0, chunks // 2, pair_body, 0)


_sc_sum2 = functools.partial(
    pl.kernel,
    mesh=plsc.VectorSubcoreMesh(core_axis_name="c", subcore_axis_name="s"),
    out_type=jax.ShapeDtypeStruct((N1, D), jnp.float32),
    scratch_types=[
        pltpu.VMEM((_CHUNK_IN, D), jnp.float32),
        pltpu.VMEM((_CHUNK_IN, D), jnp.float32),
        pltpu.VMEM((_CHUNK_OUT, D), jnp.float32),
        pltpu.SemaphoreType.DMA,
        pltpu.SemaphoreType.DMA,
    ],
)(_sc_sum2_body)


_B1 = 2048


def _tc_mid_body(x1_ref, m2_ref, ws0_ref, wn0_ref, b0_ref, mh1_ref, m1_ref):
    x1 = x1_ref[...]
    h = jnp.dot(x1, ws0_ref[...], preferred_element_type=jnp.float32)
    h = h + jnp.dot(m2_ref[...], wn0_ref[...], preferred_element_type=jnp.float32)
    h = jnp.maximum(h + b0_ref[...], 0.0)
    mh1_ref[...] = h.reshape(-1, FAN, D).sum(axis=1)
    m1_ref[...] = x1.reshape(-1, FAN, D).sum(axis=1)


def _tc_mid(x1, mean2, ws0, wn0, b0):
    grid = (N1 // _B1,)
    return pl.pallas_call(
        _tc_mid_body,
        grid=grid,
        in_specs=[
            pl.BlockSpec((_B1, D), lambda i: (i, 0)),
            pl.BlockSpec((_B1, D), lambda i: (i, 0)),
            pl.BlockSpec((D, D), lambda i: (0, 0)),
            pl.BlockSpec((D, D), lambda i: (0, 0)),
            pl.BlockSpec((1, D), lambda i: (0, 0)),
        ],
        out_specs=[
            pl.BlockSpec((_B1 // FAN, D), lambda i: (i, 0)),
            pl.BlockSpec((_B1 // FAN, D), lambda i: (i, 0)),
        ],
        out_shape=[
            jax.ShapeDtypeStruct((N0, D), jnp.float32),
            jax.ShapeDtypeStruct((N0, D), jnp.float32),
        ],
    )(x1, mean2, ws0, wn0, b0)


def _tc_head_body(x0_ref, m1_ref, mh1_ref, ws0_ref, wn0_ref, b0_ref,
                  ws1_ref, wn1_ref, b1_ref, wc_ref, bc_ref, out_ref):
    h0 = jnp.dot(x0_ref[...], ws0_ref[...], preferred_element_type=jnp.float32)
    h0 = h0 + jnp.dot(m1_ref[...], wn0_ref[...], preferred_element_type=jnp.float32)
    h0 = jnp.maximum(h0 + b0_ref[...], 0.0)
    g0 = jnp.dot(h0, ws1_ref[...], preferred_element_type=jnp.float32)
    g0 = g0 + jnp.dot(mh1_ref[...], wn1_ref[...], preferred_element_type=jnp.float32)
    g0 = g0 + b1_ref[...]
    out_ref[...] = jnp.dot(g0, wc_ref[...], preferred_element_type=jnp.float32) + bc_ref[...]


def _tc_head(x0, mean1, mh1, ws0, wn0, b0, ws1, wn1, b1, wc, bc):
    return pl.pallas_call(
        _tc_head_body,
        out_shape=jax.ShapeDtypeStruct((N0, C), jnp.float32),
    )(x0, mean1, mh1, ws0, wn0, b0, ws1, wn1, b1, wc, bc)


def kernel(node_features_0, node_features_1, node_features_2,
           node_mask_0, node_mask_1, node_mask_2,
           neighbor_mask_0, neighbor_mask_1,
           Ws0, bs0, Wn0, bn0, Ws1, bs1, Wn1, bn1, Wc, bc):
    del node_mask_0, node_mask_1, node_mask_2, neighbor_mask_0, neighbor_mask_1
    b0 = (bs0 + bn0).reshape(1, D)
    b1 = (bs1 + bn1).reshape(1, D)
    wn0s = Wn0 * (1.0 / FAN)
    wn1s = Wn1 * (1.0 / FAN)
    sum2 = _sc_sum2(node_features_2)
    mh1, mean1 = _tc_mid(node_features_1, sum2, Ws0, wn0s, b0)
    return _tc_head(node_features_0, mean1, mh1, Ws0, wn0s, b0,
                    Ws1, wn1s, b1, Wc, bc.reshape(1, C))

# --- scband reference (transcript-rebuilt; emitter-appended) ---
"""Pipeline reference for scband-graph-sage-90117003805342 (READ-ONLY COPY).

The authoritative reference and input builder live on the scoring server;
editing this copy changes nothing except your own understanding.
"""

import jax, jax.numpy as jnp
import numpy as np

N0, N1, N2 = 1024, 16384, 262144
F = 16
D = 128
H = 128
C = 40
NUM_LAYERS = 2


def _lin(k, i, o):
    return jax.random.normal(k, (i, o), dtype=jnp.float32) / np.sqrt(i)


def setup_inputs(seed: int = 0) -> dict:
    key = jax.random.key(seed)
    ks = jax.random.split(key, 10)
    inp = {}
    inp["node_features_0"] = jax.random.normal(ks[0], (N0, D), dtype=jnp.float32)
    inp["node_features_1"] = jax.random.normal(ks[1], (N1, D), dtype=jnp.float32)
    inp["node_features_2"] = jax.random.normal(ks[2], (N2, D), dtype=jnp.float32)
    inp["node_mask_0"] = jnp.ones((N0,), dtype=bool)
    inp["node_mask_1"] = jnp.ones((N1,), dtype=bool)
    inp["node_mask_2"] = jnp.ones((N2,), dtype=bool)
    inp["neighbor_mask_0"] = jnp.ones((N0, F), dtype=bool)
    inp["neighbor_mask_1"] = jnp.ones((N1, F), dtype=bool)
    # learned parameters (layer 0 and layer 1 GraphSAGE linears + classifier)
    inp["Ws0"] = _lin(ks[3], D, H); inp["bs0"] = jnp.zeros((H,), jnp.float32)
    inp["Wn0"] = _lin(ks[4], D, H); inp["bn0"] = jnp.zeros((H,), jnp.float32)
    inp["Ws1"] = _lin(ks[5], H, H); inp["bs1"] = jnp.zeros((H,), jnp.float32)
    inp["Wn1"] = _lin(ks[6], H, H); inp["bn1"] = jnp.zeros((H,), jnp.float32)
    inp["Wc"] = _lin(ks[7], H, C); inp["bc"] = jnp.zeros((C,), jnp.float32)
    return inp


def _aggregate_mean(neighbor_feats, neighbor_mask):
    n, f = neighbor_mask.shape
    nf = neighbor_feats.reshape(n, f, -1)
    m = neighbor_mask.astype(nf.dtype)[..., None]
    summed = (nf * m).sum(axis=1)
    denom = jnp.clip(m.sum(axis=1), 1.0, None)
    return summed / denom


def reference(node_features_0, node_features_1, node_features_2,
              node_mask_0, node_mask_1, node_mask_2,
              neighbor_mask_0, neighbor_mask_1,
              Ws0, bs0, Wn0, bn0, Ws1, bs1, Wn1, bn1, Wc, bc):
    nfs = [node_features_0, node_features_1, node_features_2]
    nms = [node_mask_0, node_mask_1, node_mask_2]
    nbms = [neighbor_mask_0, neighbor_mask_1]
    states = [f * m.astype(f.dtype)[:, None] for f, m in zip(nfs, nms)]
    layers = [(Ws0, bs0, Wn0, bn0, True), (Ws1, bs1, Wn1, bn1, False)]
    for layer_idx, (Ws, bs, Wn, bn, act) in enumerate(layers):
        prev = states
        nxt = list(prev)
        max_depth = NUM_LAYERS - layer_idx
        for depth in range(max_depth - 1, -1, -1):
            self_feats = prev[depth]
            agg = _aggregate_mean(prev[depth + 1], nbms[depth])
            combined = self_feats @ Ws + bs + agg @ Wn + bn
            if act:
                combined = jax.nn.relu(combined)
            parent_mask = nms[depth].astype(combined.dtype)[:, None]
            nxt[depth] = combined * parent_mask
        states = nxt
    logits = states[0] @ Wc + bc
    return logits

if __name__ == "__main__":
    import jax
    _d = setup_inputs()
    print(jax.jit(kernel)(*tuple(_d.values())))

</pallas_src>

<mosaic_0001>
#map = affine_map<(d0, d1) -> (0, 0)>
module attributes {stable_mosaic.version = 14 : i64} {
  func.func @_sc_sum2_body(%arg0: i32, %arg1: i32, %arg2: memref<262144x128xf32, #tpu.memory_space<hbm>>, %arg3: memref<16384x128xf32, #tpu.memory_space<hbm>>, %arg4: memref<256x128xf32, #tpu.memory_space<vmem>>, %arg5: memref<256x128xf32, #tpu.memory_space<vmem>>, %arg6: memref<16x128xf32, #tpu.memory_space<vmem>>, %arg7: memref<!tpu.dma_semaphore, #tpu.memory_space<semaphore_mem>>, %arg8: memref<!tpu.dma_semaphore, #tpu.memory_space<semaphore_mem>>) attributes {dimension_semantics = [#tpu.dimension_semantics<core_parallel>, #tpu.dimension_semantics<subcore_parallel>], iteration_bounds = array<i64: 2, 16>, scalar_prefetch = 0 : i64, scratch_operands = 5 : i64, tpu.core_type = #tpu.core_type<sc_vector_subcore>, window_params = [{transform_indices = #map}, {transform_indices = #map}]} {
    %mul3A = arith.constant 2 : i32
    %mul3A_0 = arith.muli %arg1, %mul3A : i32
    %add3A = arith.addi %mul3A_0, %arg0 : i32
    %mul3A_1 = arith.constant 512 : i32
    %mul3A_2 = arith.muli %add3A, %mul3A_1 : i32
    %add3A_3 = arith.constant 0 : i32
    %add3A_4 = arith.addi %mul3A_2, %add3A_3 : i32
    %mul3A_5 = arith.constant 16 : i32
    %mul3A_6 = arith.muli %add3A_4, %mul3A_5 : i32
    %dma_start3A = arith.constant 0 : i32
    %dma_start3A_7 = tpu.memref_slice %arg2[%mul3A_6, %dma_start3A] : memref<262144x128xf32, #tpu.memory_space<hbm>> -> memref<256x128xf32, #tpu.memory_space<hbm>>
    %dma_start3A_8 = arith.constant 0 : i32
    %dma_start3A_9 = tpu.memref_slice %arg2[%mul3A_6, %dma_start3A_8] : memref<262144x128xf32, #tpu.memory_space<hbm>> -> memref<256x128xf32, #tpu.memory_space<hbm>>
    tpu.enqueue_dma source(%dma_start3A_9 : memref<256x128xf32, #tpu.memory_space<hbm>>) target(%arg4 : memref<256x128xf32, #tpu.memory_space<vmem>>) target_semaphore(%arg7 : memref<!tpu.dma_semaphore, #tpu.memory_space<semaphore_mem>>)
    %scan3A = arith.constant 0 : i32
    %scan3A_10 = arith.constant 0 : i32
    %scan3A_11 = arith.constant 16 : i32
    %scan3A_12 = arith.addi %scan3A_10, %scan3A_11 : i32
    %scan3A_13 = arith.constant 1 : i32
    scf.for %scan3A_15 = %scan3A_10 to %scan3A_12 step %scan3A_13  : i32 {
      %mul3A_16 = arith.constant 2 : i32
      %mul3A_17 = arith.muli %scan3A_15, %mul3A_16 : i32
      %add3A_18 = arith.constant 0 : i32
      %add3A_19 = arith.addi %mul3A_17, %add3A_18 : i32
      %add3A_20 = arith.constant 1 : i32
      %add3A_21 = arith.addi %add3A_19, %add3A_20 : i32
      %lt3A = arith.constant 32 : i32
      %lt3A_22 = arith.cmpi slt, %add3A_21, %lt3A : i32
      %convert_element_type3A = arith.extui %lt3A_22 : i1 to i32
      %cond3A = arith.constant 0 : i32
      %cond3A_23 = arith.cmpi ne, %convert_element_type3A, %cond3A : i32
      scf.if %cond3A_23 {
        %add3A_78 = arith.constant 1 : i32
        %add3A_79 = arith.addi %add3A_19, %add3A_78 : i32
        %mul3A_80 = arith.constant 512 : i32
        %mul3A_81 = arith.muli %add3A, %mul3A_80 : i32
        %mul3A_82 = arith.constant 16 : i32
        %mul3A_83 = arith.muli %add3A_79, %mul3A_82 : i32
        %add3A_84 = arith.addi %mul3A_81, %mul3A_83 : i32
        %mul3A_85 = arith.constant 16 : i32
        %mul3A_86 = arith.muli %add3A_84, %mul3A_85 : i32
        %dma_start3A_87 = arith.constant 0 : i32
        %dma_start3A_88 = tpu.memref_slice %arg2[%mul3A_86, %dma_start3A_87] : memref<262144x128xf32, #tpu.memory_space<hbm>> -> memref<256x128xf32, #tpu.memory_space<hbm>>
        %dma_start3A_89 = arith.constant 0 : i32
        %dma_start3A_90 = tpu.memref_slice %arg2[%mul3A_86, %dma_start3A_89] : memref<262144x128xf32, #tpu.memory_space<hbm>> -> memref<256x128xf32, #tpu.memory_space<hbm>>
        tpu.enqueue_dma source(%dma_start3A_90 : memref<256x128xf32, #tpu.memory_space<hbm>>) target(%arg5 : memref<256x128xf32, #tpu.memory_space<vmem>>) target_semaphore(%arg8 : memref<!tpu.dma_semaphore, #tpu.memory_space<semaphore_mem>>)
      } else {
      }
      %mul3A_24 = arith.constant 512 : i32
      %mul3A_25 = arith.muli %add3A, %mul3A_24 : i32
      %mul3A_26 = arith.constant 16 : i32
      %mul3A_27 = arith.muli %add3A_19, %mul3A_26 : i32
      %add3A_28 = arith.addi %mul3A_25, %mul3A_27 : i32
      %mul3A_29 = arith.constant 16 : i32
      %mul3A_30 = arith.muli %add3A_28, %mul3A_29 : i32
      %dma_wait3A = arith.constant 0 : i32
      %dma_wait3A_31 = tpu.memref_slice %arg2[%mul3A_30, %dma_wait3A] : memref<262144x128xf32, #tpu.memory_space<hbm>> -> memref<256x128xf32, #tpu.memory_space<hbm>>
      %dma_wait3A_32 = arith.constant 0 : i32
      %dma_wait3A_33 = tpu.memref_slice %arg2[%mul3A_30, %dma_wait3A_32] : memref<262144x128xf32, #tpu.memory_space<hbm>> -> memref<256x128xf32, #tpu.memory_space<hbm>>
      tpu.wait_dma2 semaphore(%arg7 : memref<!tpu.dma_semaphore, #tpu.memory_space<semaphore_mem>>) src(%dma_wait3A_33 : memref<256x128xf32, #tpu.memory_space<hbm>>) dst(%arg4 : memref<256x128xf32, #tpu.memory_space<vmem>>)
      %scan3A_34 = arith.constant 0 : i32
      %scan3A_35 = arith.constant 0 : i32
      %scan3A_36 = arith.constant 16 : i32
      %scan3A_37 = arith.addi %scan3A_35, %scan3A_36 : i32
      %scan3A_38 = arith.constant 1 : i32
      scf.for %scan3A_78 = %scan3A_35 to %scan3A_37 step %scan3A_38  : i32 {
        %mul3A_79 = arith.constant 16 : i32
        %mul3A_80 = arith.muli %scan3A_78, %mul3A_79 : i32
        %add3A_81 = arith.constant 0 : i32
        %add3A_82 = arith.addi %mul3A_80, %add3A_81 : i32
        %get3A = arith.index_cast %add3A_82 : i32 to index
        %get3A_83 = arith.constant 0 : index
        %get3A_84 = tpu.vector_load %arg4[%get3A, %get3A_83] {strides = array<i32>} : memref<256x128xf32, #tpu.memory_space<vmem>>, vector<1x16xf32>,
        %get3A_85 = vector.shape_cast %get3A_84 : vector<1x16xf32> to vector<16xf32>
        %add3A_86 = arith.constant 1 : i32
        %add3A_87 = arith.addi %mul3A_80, %add3A_86 : i32
        %get3A_88 = arith.index_cast %add3A_87 : i32 to index
        %get3A_89 = arith.constant 0 : index
        %get3A_90 = tpu.vector_load %arg4[%get3A_88, %get3A_89] {strides = array<i32>} : memref<256x128xf32, #tpu.memory_space<vmem>>, vector<1x16xf32>,
        %get3A_91 = vector.shape_cast %get3A_90 : vector<1x16xf32> to vector<16xf32>
        %add3A_92 = arith.constant 2 : i32
        %add3A_93 = arith.addi %mul3A_80, %add3A_92 : i32
        %get3A_94 = arith.index_cast %add3A_93 : i32 to index
        %get3A_95 = arith.constant 0 : index
        %get3A_96 = tpu.vector_load %arg4[%get3A_94, %get3A_95] {strides = array<i32>} : memref<256x128xf32, #tpu.memory_space<vmem>>, vector<1x16xf32>,
        %get3A_97 = vector.shape_cast %get3A_96 : vector<1x16xf32> to vector<16xf32>
        %add3A_98 = arith.constant 3 : i32
        %add3A_99 = arith.addi %mul3A_80, %add3A_98 : i32
        %get3A_100 = arith.index_cast %add3A_99 : i32 to index
        %get3A_101 = arith.constant 0 : index
        %get3A_102 = tpu.vector_load %arg4[%get3A_100, %get3A_101] {strides = array<i32>} : memref<256x128xf32, #tpu.memory_space<vmem>>, vector<1x16xf32>,
        %get3A_103 = vector.shape_cast %get3A_102 : vector<1x16xf32> to vector<16xf32>
        %add3A_104 = arith.constant 4 : i32
        %add3A_105 = arith.addi %mul3A_80, %add3A_104 : i32
        %get3A_106 = arith.index_cast %add3A_105 : i32 to index
        %get3A_107 = arith.constant 0 : index
        %get3A_108 = tpu.vector_load %arg4[%get3A_106, %get3A_107] {strides = array<i32>} : memref<256x128xf32, #tpu.memory_space<vmem>>, vector<1x16xf32>,
        %get3A_109 = vector.shape_cast %get3A_108 : vector<1x16xf32> to vector<16xf32>
        %add3A_110 = arith.constant 5 : i32
        %add3A_111 = arith.addi %mul3A_80, %add3A_110 : i32
        %get3A_112 = arith.index_cast %add3A_111 : i32 to index
        %get3A_113 = arith.constant 0 : index
        %get3A_114 = tpu.vector_load %arg4[%get3A_112, %get3A_113] {strides = array<i32>} : memref<256x128xf32, #tpu.memory_space<vmem>>, vector<1x16xf32>,
        %get3A_115 = vector.shape_cast %get3A_114 : vector<1x16xf32> to vector<16xf32>
        %add3A_116 = arith.constant 6 : i32
        %add3A_117 = arith.addi %mul3A_80, %add3A_116 : i32
        %get3A_118 = arith.index_cast %add3A_117 : i32 to index
        %get3A_119 = arith.constant 0 : index
        %get3A_120 = tpu.vector_load %arg4[%get3A_118, %get3A_119] {strides = array<i32>} : memref<256x128xf32, #tpu.memory_space<vmem>>, vector<1x16xf32>,
        %get3A_121 = vector.shape_cast %get3A_120 : vector<1x16xf32> to vector<16xf32>
        %add3A_122 = arith.constant 7 : i32
        %add3A_123 = arith.addi %mul3A_80, %add3A_122 : i32
        %get3A_124 = arith.index_cast %add3A_123 : i32 to index
        %get3A_125 = arith.constant 0 : index
        %get3A_126 = tpu.vector_load %arg4[%get3A_124, %get3A_125] {strides = array<i32>} : memref<256x128xf32, #tpu.memory_space<vmem>>, vector<1x16xf32>,
        %get3A_127 = vector.shape_cast %get3A_126 : vector<1x16xf32> to vector<16xf32>
        %add3A_128 = arith.constant 8 : i32
        %add3A_129 = arith.addi %mul3A_80, %add3A_128 : i32
        %get3A_130 = arith.index_cast %add3A_129 : i32 to index
        %get3A_131 = arith.constant 0 : index
        %get3A_132 = tpu.vector_load %arg4[%get3A_130, %get3A_131] {strides = array<i32>} : memref<256x128xf32, #tpu.memory_space<vmem>>, vector<1x16xf32>,
        %get3A_133 = vector.shape_cast %get3A_132 : vector<1x16xf32> to vector<16xf32>
        %add3A_134 = arith.constant 9 : i32
        %add3A_135 = arith.addi %mul3A_80, %add3A_134 : i32
        %get3A_136 = arith.index_cast %add3A_135 : i32 to index
        %get3A_137 = arith.constant 0 : index
        %get3A_138 = tpu.vector_load %arg4[%get3A_136, %get3A_137] {strides = array<i32>} : memref<256x128xf32, #tpu.memory_space<vmem>>, vector<1x16xf32>,
        %get3A_139 = vector.shape_cast %get3A_138 : vector<1x16xf32> to vector<16xf32>
        %add3A_140 = arith.constant 10 : i32
        %add3A_141 = arith.addi %mul3A_80, %add3A_140 : i32
        %get3A_142 = arith.index_cast %add3A_141 : i32 to index
        %get3A_143 = arith.constant 0 : index
        %get3A_144 = tpu.vector_load %arg4[%get3A_142, %get3A_143] {strides = array<i32>} : memref<256x128xf32, #tpu.memory_space<vmem>>, vector<1x16xf32>,
        %get3A_145 = vector.shape_cast %get3A_144 : vector<1x16xf32> to vector<16xf32>
        %add3A_146 = arith.constant 11 : i32
        %add3A_147 = arith.addi %mul3A_80, %add3A_146 : i32
        %get3A_148 = arith.index_cast %add3A_147 : i32 to index
        %get3A_149 = arith.constant 0 : index
        %get3A_150 = tpu.vector_load %arg4[%get3A_148, %get3A_149] {strides = array<i32>} : memref<256x128xf32, #tpu.memory_space<vmem>>, vector<1x16xf32>,
        %get3A_151 = vector.shape_cast %get3A_150 : vector<1x16xf32> to vector<16xf32>
        %add3A_152 = arith.constant 12 : i32
        %add3A_153 = arith.addi %mul3A_80, %add3A_152 : i32
        %get3A_154 = arith.index_cast %add3A_153 : i32 to index
        %get3A_155 = arith.constant 0 : index
        %get3A_156 = tpu.vector_load %arg4[%get3A_154, %get3A_155] {strides = array<i32>} : memref<256x128xf32, #tpu.memory_space<vmem>>, vector<1x16xf32>,
        %get3A_157 = vector.shape_cast %get3A_156 : vector<1x16xf32> to vector<16xf32>
        %add3A_158 = arith.constant 13 : i32
        %add3A_159 = arith.addi %mul3A_80, %add3A_158 : i32
        %get3A_160 = arith.index_cast %add3A_159 : i32 to index
        %get3A_161 = arith.constant 0 : index
        %get3A_162 = tpu.vector_load %arg4[%get3A_160, %get3A_161] {strides = array<i32>} : memref<256x128xf32, #tpu.memory_space<vmem>>, vector<1x16xf32>,
        %get3A_163 = vector.shape_cast %get3A_162 : vector<1x16xf32> to vector<16xf32>
        %add3A_164 = arith.constant 14 : i32
        %add3A_165 = arith.addi %mul3A_80, %add3A_164 : i32
        %get3A_166 = arith.index_cast %add3A_165 : i32 to index
        %get3A_167 = arith.constant 0 : index
        %get3A_168 = tpu.vector_load %arg4[%get3A_166, %get3A_167] {strides = array<i32>} : memref<256x128xf32, #tpu.memory_space<vmem>>, vector<1x16xf32>,
        %get3A_169 = vector.shape_cast %get3A_168 : vector<1x16xf32> to vector<16xf32>
        %add3A_170 = arith.constant 15 : i32
        %add3A_171 = arith.addi %mul3A_80, %add3A_170 : i32
        %get3A_172 = arith.index_cast %add3A_171 : i32 to index
        %get3A_173 = arith.constant 0 : index
        %get3A_174 = tpu.vector_load %arg4[%get3A_172, %get3A_173] {strides = array<i32>} : memref<256x128xf32, #tpu.memory_space<vmem>>, vector<1x16xf32>,
        %get3A_175 = vector.shape_cast %get3A_174 : vector<1x16xf32> to vector<16xf32>
        %add3A_176 = arith.addf %get3A_85, %get3A_91 : vector<16xf32>
        %add3A_177 = arith.addf %get3A_97, %get3A_103 : vector<16xf32>
        %add3A_178 = arith.addf %get3A_109, %get3A_115 : vector<16xf32>
        %add3A_179 = arith.addf %get3A_121, %get3A_127 : vector<16xf32>
        %add3A_180 = arith.addf %get3A_133, %get3A_139 : vector<16xf32>
        %add3A_181 = arith.addf %get3A_145, %get3A_151 : vector<16xf32>
        %add3A_182 = arith.addf %get3A_157, %get3A_163 : vector<16xf32>
        %add3A_183 = arith.addf %get3A_169, %get3A_175 : vector<16xf32>
        %add3A_184 = arith.addf %add3A_176, %add3A_177 : vector<16xf32>
        %add3A_185 = arith.addf %add3A_178, %add3A_179 : vector<16xf32>
        %add3A_186 = arith.addf %add3A_180, %add3A_181 : vector<16xf32>
        %add3A_187 = arith.addf %add3A_182, %add3A_183 : vector<16xf32>
        %add3A_188 = arith.addf %add3A_184, %add3A_185 : vector<16xf32>
        %add3A_189 = arith.addf %add3A_186, %add3A_187 : vector<16xf32>
        %add3A_190 = arith.addf %add3A_188, %add3A_189 : vector<16xf32>
        %swap3A = arith.index_cast %scan3A_78 : i32 to index
        %swap3A_191 = arith.constant 0 : index
        %swap3A_192 = tpu.vector_load %arg6[%swap3A, %swap3A_191] {strides = array<i32>} : memref<16x128xf32, #tpu.memory_space<vmem>>, vector<1x16xf32>,
        %swap3A_193 = vector.shape_cast %swap3A_192 : vector<1x16xf32> to vector<16xf32>
        %swap3A_194 = vector.shape_cast %add3A_190 : vector<16xf32> to vector<1x16xf32>
        tpu.vector_store %arg6[%swap3A, %swap3A_191], %swap3A_194 {strides = array<i32>} : memref<16x128xf32, #tpu.memory_space<vmem>>, vector<1x16xf32>,
        %add3A_195 = arith.constant 0 : i32
        %add3A_196 = arith.addi %mul3A_80, %add3A_195 : i32
        %get3A_197 = arith.index_cast %add3A_196 : i32 to index
        %get3A_198 = arith.constant 16 : index
        %get3A_199 = tpu.vector_load %arg4[%get3A_197, %get3A_198] {strides = array<i32>} : memref<256x128xf32, #tpu.memory_space<vmem>>, vector<1x16xf32>,
        %get3A_200 = vector.shape_cast %get3A_199 : vector<1x16xf32> to vector<16xf32>
        %add3A_201 = arith.constant 1 : i32
        %add3A_202 = arith.addi %mul3A_80, %add3A_201 : i32
        %get3A_203 = arith.index_cast %add3A_202 : i32 to index
        %get3A_204 = arith.constant 16 : index
        %get3A_205 = tpu.vector_load %arg4[%get3A_203, %get3A_204] {strides = array<i32>} : memref<256x128xf32, #tpu.memory_space<vmem>>, vector<1x16xf32>,
        %get3A_206 = vector.shape_cast %get3A_205 : vector<1x16xf32> to vector<16xf32>
        %add3A_207 = arith.constant 2 : i32
        %add3A_208 = arith.addi %mul3A_80, %add3A_207 : i32
        %get3A_209 = arith.index_cast %add3A_208 : i32 to index
        %get3A_210 = arith.constant 16 : index
        %get3A_211 = tpu.vector_load %arg4[%get3A_209, %get3A_210] {strides = array<i32>} : memref<256x128xf32, #tpu.memory_space<vmem>>, vector<1x16xf32>,
        %get3A_212 = vector.shape_cast %get3A_211 : vector<1x16xf32> to vector<16xf32>
        %add3A_213 = arith.constant 3 : i32
        %add3A_214 = arith.addi %mul3A_80, %add3A_213 : i32
        %get3A_215 = arith.index_cast %add3A_214 : i32 to index
        %get3A_216 = arith.constant 16 : index
        %get3A_217 = tpu.vector_load %arg4[%get3A_215, %get3A_216] {strides = array<i32>} : memref<256x128xf32, #tpu.memory_space<vmem>>, vector<1x16xf32>,
        %get3A_218 = vector.shape_cast %get3A_217 : vector<1x16xf32> to vector<16xf32>
        %add3A_219 = arith.constant 4 : i32
        %add3A_220 = arith.addi %mul3A_80, %add3A_219 : i32
        %get3A_221 = arith.index_cast %add3A_220 : i32 to index
        %get3A_222 = arith.constant 16 : index
        %get3A_223 = tpu.vector_load %arg4[%get3A_221, %get3A_222] {strides = array<i32>} : memref<256x128xf32, #tpu.memory_space<vmem>>, vector<1x16xf32>,
        %get3A_224 = vector.shape_cast %get3A_223 : vector<1x16xf32> to vector<16xf32>
        %add3A_225 = arith.constant 5 : i32
        %add3A_226 = arith.addi %mul3A_80, %add3A_225 : i32
        %get3A_227 = arith.index_cast %add3A_226 : i32 to index
        %get3A_228 = arith.constant 16 : index
        %get3A_229 = tpu.vector_load %arg4[%get3A_227, %get3A_228] {strides = array<i32>} : memref<256x128xf32, #tpu.memory_space<vmem>>, vector<1x16xf32>,
        %get3A_230 = vector.shape_cast %get3A_229 : vector<1x16xf32> to vector<16xf32>
        %add3A_231 = arith.constant 6 : i32
        %add3A_232 = arith.addi %mul3A_80, %add3A_231 : i32
        %get3A_233 = arith.index_cast %add3A_232 : i32 to index
        %get3A_234 = arith.constant 16 : index
        %get3A_235 = tpu.vector_load %arg4[%get3A_233, %get3A_234] {strides = array<i32>} : memref<256x128xf32, #tpu.memory_space<vmem>>, vector<1x16xf32>,
        %get3A_236 = vector.shape_cast %get3A_235 : vector<1x16xf32> to vector<16xf32>
        %add3A_237 = arith.constant 7 : i32
        %add3A_238 = arith.addi %mul3A_80, %add3A_237 : i32
        %get3A_239 = arith.index_cast %add3A_238 : i32 to index
        %get3A_240 = arith.constant 16 : index
        %get3A_241 = tpu.vector_load %arg4[%get3A_239, %get3A_240] {strides = array<i32>} : memref<256x128xf32, #tpu.memory_space<vmem>>, vector<1x16xf32>,
        %get3A_242 = vector.shape_cast %get3A_241 : vector<1x16xf32> to vector<16xf32>
        %add3A_243 = arith.constant 8 : i32
        %add3A_244 = arith.addi %mul3A_80, %add3A_243 : i32
        %get3A_245 = arith.index_cast %add3A_244 : i32 to index
        %get3A_246 = arith.constant 16 : index
        %get3A_247 = tpu.vector_load %arg4[%get3A_245, %get3A_246] {strides = array<i32>} : memref<256x128xf32, #tpu.memory_space<vmem>>, vector<1x16xf32>,
        %get3A_248 = vector.shape_cast %get3A_247 : vector<1x16xf32> to vector<16xf32>
        %add3A_249 = arith.constant 9 : i32
        %add3A_250 = arith.addi %mul3A_80, %add3A_249 : i32
        %get3A_251 = arith.index_cast %add3A_250 : i32 to index
        %get3A_252 = arith.constant 16 : index
        %get3A_253 = tpu.vector_load %arg4[%get3A_251, %get3A_252] {strides = array<i32>} : memref<256x128xf32, #tpu.memory_space<vmem>>, vector<1x16xf32>,
        %get3A_254 = vector.shape_cast %get3A_253 : vector<1x16xf32> to vector<16xf32>
        %add3A_255 = arith.constant 10 : i32
        %add3A_256 = arith.addi %mul3A_80, %add3A_255 : i32
        %get3A_257 = arith.index_cast %add3A_256 : i32 to index
        %get3A_258 = arith.constant 16 : index
        %get3A_259 = tpu.vector_load %arg4[%get3A_257, %get3A_258] {strides = array<i32>} : memref<256x128xf32, #tpu.memory_space<vmem>>, vector<1x16xf32>,
        %get3A_260 = vector.shape_cast %get3A_259 : vector<1x16xf32> to vector<16xf32>
        %add3A_261 = arith.constant 11 : i32
        %add3A_262 = arith.addi %mul3A_80, %add3A_261 : i32
        %get3A_263 = arith.index_cast %add3A_262 : i32 to index
        %get3A_264 = arith.constant 16 : index
        %get3A_265 = tpu.vector_load %arg4[%get3A_263, %get3A_264] {strides = array<i32>} : memref<256x128xf32, #tpu.memory_space<vmem>>, vector<1x16xf32>,
        %get3A_266 = vector.shape_cast %get3A_265 : vector<1x16xf32> to vector<16xf32>
        %add3A_267 = arith.constant 12 : i32
        %add3A_268 = arith.addi %mul3A_80, %add3A_267 : i32
        %get3A_269 = arith.index_cast %add3A_268 : i32 to index
        %get3A_270 = arith.constant 16 : index
        %get3A_271 = tpu.vector_load %arg4[%get3A_269, %get3A_270] {strides = array<i32>} : memref<256x128xf32, #tpu.memory_space<vmem>>, vector<1x16xf32>,
        %get3A_272 = vector.shape_cast %get3A_271 : vector<1x16xf32> to vector<16xf32>
        %add3A_273 = arith.constant 13 : i32
        %add3A_274 = arith.addi %mul3A_80, %add3A_273 : i32
        %get3A_275 = arith.index_cast %add3A_274 : i32 to index
        %get3A_276 = arith.constant 16 : index
        %get3A_277 = tpu.vector_load %arg4[%get3A_275, %get3A_276] {strides = array<i32>} : memref<256x128xf32, #tpu.memory_space<vmem>>, vector<1x16xf32>,
        %get3A_278 = vector.shape_cast %get3A_277 : vector<1x16xf32> to vector<16xf32>
        %add3A_279 = arith.constant 14 : i32
        %add3A_280 = arith.addi %mul3A_80, %add3A_279 : i32
        %get3A_281 = arith.index_cast %add3A_280 : i32 to index
        %get3A_282 = arith.constant 16 : index
        %get3A_283 = tpu.vector_load %arg4[%get3A_281, %get3A_282] {strides = array<i32>} : memref<256x128xf32, #tpu.memory_space<vmem>>, vector<1x16xf32>,
        %get3A_284 = vector.shape_cast %get3A_283 : vector<1x16xf32> to vector<16xf32>
        %add3A_285 = arith.constant 15 : i32
        %add3A_286 = arith.addi %mul3A_80, %add3A_285 : i32
        %get3A_287 = arith.index_cast %add3A_286 : i32 to index
        %get3A_288 = arith.constant 16 : index
        %get3A_289 = tpu.vector_load %arg4[%get3A_287, %get3A_288] {strides = array<i32>} : memref<256x128xf32, #tpu.memory_space<vmem>>, vector<1x16xf32>,
        %get3A_290 = vector.shape_cast %get3A_289 : vector<1x16xf32> to vector<16xf32>
        %add3A_291 = arith.addf %get3A_200, %get3A_206 : vector<16xf32>
        %add3A_292 = arith.addf %get3A_212, %get3A_218 : vector<16xf32>
        %add3A_293 = arith.addf %get3A_224, %get3A_230 : vector<16xf32>
        %add3A_294 = arith.addf %get3A_236, %get3A_242 : vector<16xf32>
        %add3A_295 = arith.addf %get3A_248, %get3A_254 : vector<16xf32>
        %add3A_296 = arith.addf %get3A_260, %get3A_266 : vector<16xf32>
        %add3A_297 = arith.addf %get3A_272, %get3A_278 : vector<16xf32>
        %add3A_298 = arith.addf %get3A_284, %get3A_290 : vector<16xf32>
        %add3A_299 = arith.addf %add3A_291, %add3A_292 : vector<16xf32>
        %add3A_300 = arith.addf %add3A_293, %add3A_294 : vector<16xf32>
        %add3A_301 = arith.addf %add3A_295, %add3A_296 : vector<16xf32>
        %add3A_302 = arith.addf %add3A_297, %add3A_298 : vector<16xf32>
        %add3A_303 = arith.addf %add3A_299, %add3A_300 : vector<16xf32>
        %add3A_304 = arith.addf %add3A_301, %add3A_302 : vector<16xf32>
        %add3A_305 = arith.addf %add3A_303, %add3A_304 : vector<16xf32>
        %swap3A_306 = arith.index_cast %scan3A_78 : i32 to index
        %swap3A_307 = arith.constant 16 : index
        %swap3A_308 = tpu.vector_load %arg6[%swap3A_306, %swap3A_307] {strides = array<i32>} : memref<16x128xf32, #tpu.memory_space<vmem>>, vector<1x16xf32>,
        %swap3A_309 = vector.shape_cast %swap3A_308 : vector<1x16xf32> to vector<16xf32>
        %swap3A_310 = vector.shape_cast %add3A_305 : vector<16xf32> to vector<1x16xf32>
        tpu.vector_store %arg6[%swap3A_306, %swap3A_307], %swap3A_310 {strides = array<i32>} : memref<16x128xf32, #tpu.memory_space<vmem>>, vector<1x16xf32>,
        %add3A_311 = arith.constant 0 : i32
        %add3A_312 = arith.addi %mul3A_80, %add3A_311 : i32
        %get3A_313 = arith.index_cast %add3A_312 : i32 to index
        %get3A_314 = arith.constant 32 : index
        %get3A_315 = tpu.vector_load %arg4[%get3A_313, %get3A_314] {strides = array<i32>} : memref<256x128xf32, #tpu.memory_space<vmem>>, vector<1x16xf32>,
        %get3A_316 = vector.shape_cast %get3A_315 : vector<1x16xf32> to vector<16xf32>
        %add3A_317 = arith.constant 1 : i32
        %add3A_318 = arith.addi %mul3A_80, %add3A_317 : i32
        %get3A_319 = arith.index_cast %add3A_318 : i32 to index
        %get3A_320 = arith.constant 32 : index
        %get3A_321 = tpu.vector_load %arg4[%get3A_319, %get3A_320] {strides = array<i32>} : memref<256x128xf32, #tpu.memory_space<vmem>>, vector<1x16xf32>,
        %get3A_322 = vector.shape_cast %get3A_321 : vector<1x16xf32> to vector<16xf32>
        %add3A_323 = arith.constant 2 : i32
        %add3A_324 = arith.addi %mul3A_80, %add3A_323 : i32
        %get3A_325 = arith.index_cast %add3A_324 : i32 to index
        %get3A_326 = arith.constant 32 : index
        %get3A_327 = tpu.vector_load %arg4[%get3A_325, %get3A_326] {strides = array<i32>} : memref<256x128xf32, #tpu.memory_space<vmem>>, vector<1x16xf32>,
        %get3A_328 = vector.shape_cast %get3A_327 : vector<1x16xf32> to vector<16xf32>
        %add3A_329 = arith.constant 3 : i32
        %add3A_330 = arith.addi %mul3A_80, %add3A_329 : i32
        %get3A_331 = arith.index_cast %add3A_330 : i32 to index
        %get3A_332 = arith.constant 32 : index
        %get3A_333 = tpu.vector_load %arg4[%get3A_331, %get3A_332] {strides = array<i32>} : memref<256x128xf32, #tpu.memory_space<vmem>>, vector<1x16xf32>,
        %get3A_334 = vector.shape_cast %get3A_333 : vector<1x16xf32> to vector<16xf32>
        %add3A_335 = arith.constant 4 : i32
        %add3A_336 = arith.addi %mul3A_80, %add3A_335 : i32
        %get3A_337 = arith.index_cast %add3A_336 : i32 to index
        %get3A_338 = arith.constant 32 : index
        %get3A_339 = tpu.vector_load %arg4[%get3A_337, %get3A_338] {strides = array<i32>} : memref<256x128xf32, #tpu.memory_space<vmem>>, vector<1x16xf32>,
        %get3A_340 = vector.shape_cast %get3A_339 : vector<1x16xf32> to vector<16xf32>
        %add3A_341 = arith.constant 5 : i32
        %add3A_342 = arith.addi %mul3A_80, %add3A_341 : i32
        %get3A_343 = arith.index_cast %add3A_342 : i32 to index
        %get3A_344 = arith.constant 32 : index
        %get3A_345 = tpu.vector_load %arg4[%get3A_343, %get3A_344] {strides = array<i32>} : memref<256x128xf32, #tpu.memory_space<vmem>>, vector<1x16xf32>,
        %get3A_346 = vector.shape_cast %get3A_345 : vector<1x16xf32> to vector<16xf32>
        %add3A_347 = arith.constant 6 : i32
        %add3A_348 = arith.addi %mul3A_80, %add3A_347 : i32
        %get3A_349 = arith.index_cast %add3A_348 : i32 to index
        %get3A_350 = arith.constant 32 : index
        %get3A_351 = tpu.vector_load %arg4[%get3A_349, %get3A_350] {strides = array<i32>} : memref<256x128xf32, #tpu.memory_space<vmem>>, vector<1x16xf32>,
        %get3A_352 = vector.shape_cast %get3A_351 : vector<1x16xf32> to vector<16xf32>
        %add3A_353 = arith.constant 7 : i32
        %add3A_354 = arith.addi %mul3A_80, %add3A_353 : i32
        %get3A_355 = arith.index_cast %add3A_354 : i32 to index
        %get3A_356 = arith.constant 32 : index
        %get3A_357 = tpu.vector_load %arg4[%get3A_355, %get3A_356] {strides = array<i32>} : memref<256x128xf32, #tpu.memory_space<vmem>>, vector<1x16xf32>,
        %get3A_358 = vector.shape_cast %get3A_357 : vector<1x16xf32> to vector<16xf32>
        %add3A_359 = arith.constant 8 : i32
        %add3A_360 = arith.addi %mul3A_80, %add3A_359 : i32
        %get3A_361 = arith.index_cast %add3A_360 : i32 to index
        %get3A_362 = arith.constant 32 : index
        %get3A_363 = tpu.vector_load %arg4[%get3A_361, %get3A_362] {strides = array<i32>} : memref<256x128xf32, #tpu.memory_space<vmem>>, vector<1x16xf32>,
        %get3A_364 = vector.shape_cast %get3A_363 : vector<1x16xf32> to vector<16xf32>
        %add3A_365 = arith.constant 9 : i32
        %add3A_366 = arith.addi %mul3A_80, %add3A_365 : i32
        %get3A_367 = arith.index_cast %add3A_366 : i32 to index
        %get3A_368 = arith.constant 32 : index
        %get3A_369 = tpu.vector_load %arg4[%get3A_367, %get3A_368] {strides = array<i32>} : memref<256x128xf32, #tpu.memory_space<vmem>>, vector<1x16xf32>,
        %get3A_370 = vector.shape_cast %get3A_369 : vector<1x16xf32> to vector<16xf32>
        %add3A_371 = arith.constant 10 : i32
        %add3A_372 = arith.addi %mul3A_80, %add3A_371 : i32
        %get3A_373 = arith.index_cast %add3A_372 : i32 to index
        %get3A_374 = arith.constant 32 : index
        %get3A_375 = tpu.vector_load %arg4[%get3A_373, %get3A_374] {strides = array<i32>} : memref<256x128xf32, #tpu.memory_space<vmem>>, vector<1x16xf32>,
        %get3A_376 = vector.shape_cast %get3A_375 : vector<1x16xf32> to vector<16xf32>
        %add3A_377 = arith.constant 11 : i32
        %add3A_378 = arith.addi %mul3A_80, %add3A_377 : i32
        %get3A_379 = arith.index_cast %add3A_378 : i32 to index
        %get3A_380 = arith.constant 32 : index
        %get3A_381 = tpu.vector_load %arg4[%get3A_379, %get3A_380] {strides = array<i32>} : memref<256x128xf32, #tpu.memory_space<vmem>>, vector<1x16xf32>,
        %get3A_382 = vector.shape_cast %get3A_381 : vector<1x16xf32> to vector<16xf32>
        %add3A_383 = arith.constant 12 : i32
        %add3A_384 = arith.addi %mul3A_80, %add3A_383 : i32
        %get3A_385 = arith.index_cast %add3A_384 : i32 to index
        %get3A_386 = arith.constant 32 : index
        %get3A_387 = tpu.vector_load %arg4[%get3A_385, %get3A_386] {strides = array<i32>} : memref<256x128xf32, #tpu.memory_space<vmem>>, vector<1x16xf32>,
        %get3A_388 = vector.shape_cast %get3A_387 : vector<1x16xf32> to vector<16xf32>
        %add3A_389 = arith.constant 13 : i32
        %add3A_390 = arith.addi %mul3A_80, %add3A_389 : i32
        %get3A_391 = arith.index_cast %add3A_390 : i32 to index
        %get3A_392 = arith.constant 32 : index
        %get3A_393 = tpu.vector_load %arg4[%get3A_391, %get3A_392] {strides = array<i32>} : memref<256x128xf32, #tpu.memory_space<vmem>>, vector<1x16xf32>,
        %get3A_394 = vector.shape_cast %get3A_393 : vector<1x16xf32> to vector<16xf32>
        %add3A_395 = arith.constant 14 : i32
        %add3A_396 = arith.addi %mul3A_80, %add3A_395 : i32
        %get3A_397 = arith.index_cast %add3A_396 : i32 to index
        %get3A_398 = arith.constant 32 : index
        %get3A_399 = tpu.vector_load %arg4[%get3A_397, %get3A_398] {strides = array<i32>} : memref<256x128xf32, #tpu.memory_space<vmem>>, vector<1x16xf32>,
        %get3A_400 = vector.shape_cast %get3A_399 : vector<1x16xf32> to vector<16xf32>
        %add3A_401 = arith.constant 15 : i32
        %add3A_402 = arith.addi %mul3A_80, %add3A_401 : i32
        %get3A_403 = arith.index_cast %add3A_402 : i32 to index
        %get3A_404 = arith.constant 32 : index
        %get3A_405 = tpu.vector_load %arg4[%get3A_403, %get3A_404] {strides = array<i32>} : memref<256x128xf32, #tpu.memory_space<vmem>>, vector<1x16xf32>,
        %get3A_406 = vector.shape_cast %get3A_405 : vector<1x16xf32> to vector<16xf32>
        %add3A_407 = arith.addf %get3A_316, %get3A_322 : vector<16xf32>
        %add3A_408 = arith.addf %get3A_328, %get3A_334 : vector<16xf32>
        %add3A_409 = arith.addf %get3A_340, %get3A_346 : vector<16xf32>
        %add3A_410 = arith.addf %get3A_352, %get3A_358 : vector<16xf32>
        %add3A_411 = arith.addf %get3A_364, %get3A_370 : vector<16xf32>
        %add3A_412 = arith.addf %get3A_376, %get3A_382 : vector<16xf32>
        %add3A_413 = arith.addf %get3A_388, %get3A_394 : vector<16xf32>
        %add3A_414 = arith.addf %get3A_400, %get3A_406 : vector<16xf32>
        %add3A_415 = arith.addf %add3A_407, %add3A_408 : vector<16xf32>
        %add3A_416 = arith.addf %add3A_409, %add3A_410 : vector<16xf32>
        %add3A_417 = arith.addf %add3A_411, %add3A_412 : vector<16xf32>
        %add3A_418 = arith.addf %add3A_413, %add3A_414 : vector<16xf32>
        %add3A_419 = arith.addf %add3A_415, %add3A_416 : vector<16xf32>
        %add3A_420 = arith.addf %add3A_417, %add3A_418 : vector<16xf32>
        %add3A_421 = arith.addf %add3A_419, %add3A_420 : vector<16xf32>
        %swap3A_422 = arith.index_cast %scan3A_78 : i32 to index
        %swap3A_423 = arith.constant 32 : index
        %swap3A_424 = tpu.vector_load %arg6[%swap3A_422, %swap3A_423] {strides = array<i32>} : memref<16x128xf32, #tpu.memory_space<vmem>>, vector<1x16xf32>,
        %swap3A_425 = vector.shape_cast %swap3A_424 : vector<1x16xf32> to vector<16xf32>
        %swap3A_426 = vector.shape_cast %add3A_421 : vector<16xf32> to vector<1x16xf32>
        tpu.vector_store %arg6[%swap3A_422, %swap3A_423], %swap3A_426 {strides = array<i32>} : memref<16x128xf32, #tpu.memory_space<vmem>>, vector<1x16xf32>,
        %add3A_427 = arith.constant 0 : i32
        %add3A_428 = arith.addi %mul3A_80, %add3A_427 : i32
        %get3A_429 = arith.index_cast %add3A_428 : i32 to index
        %get3A_430 = arith.constant 48 : index
        %get3A_431 = tpu.vector_load %arg4[%get3A_429, %get3A_430] {strides = array<i32>} : memref<256x128xf32, #tpu.memory_space<vmem>>, vector<1x16xf32>,
        %get3A_432 = vector.shape_cast %get3A_431 : vector<1x16xf32> to vector<16xf32>
        %add3A_433 = arith.constant 1 : i32
        %add3A_434 = arith.addi %mul3A_80, %add3A_433 : i32
        %get3A_435 = arith.index_cast %add3A_434 : i32 to index
        %get3A_436 = arith.constant 48 : index
        %get3A_437 = tpu.vector_load %arg4[%get3A_435, %get3A_436] {strides = array<i32>} : memref<256x128xf32, #tpu.memory_space<vmem>>, vector<1x16xf32>,
        %get3A_438 = vector.shape_cast %get3A_437 : vector<1x16xf32> to vector<16xf32>
        %add3A_439 = arith.constant 2 : i32
        %add3A_440 = arith.addi %mul3A_80, %add3A_439 : i32
        %get3A_441 = arith.index_cast %add3A_440 : i32 to index
        %get3A_442 = arith.constant 48 : index
        %get3A_443 = tpu.vector_load %arg4[%get3A_441, %get3A_442] {strides = array<i32>} : memref<256x128xf32, #tpu.memory_space<vmem>>, vector<1x16xf32>,
        %get3A_444 = vector.shape_cast %get3A_443 : vector<1x16xf32> to vector<16xf32>
        %add3A_445 = arith.constant 3 : i32
        %add3A_446 = arith.addi %mul3A_80, %add3A_445 : i32
        %get3A_447 = arith.index_cast %add3A_446 : i32 to index
        %get3A_448 = arith.constant 48 : index
        %get3A_449 = tpu.vector_load %arg4[%get3A_447, %get3A_448] {strides = array<i32>} : memref<256x128xf32, #tpu.memory_space<vmem>>, vector<1x16xf32>,
        %get3A_450 = vector.shape_cast %get3A_449 : vector<1x16xf32> to vector<16xf32>
        %add3A_451 = arith.constant 4 : i32
        %add3A_452 = arith.addi %mul3A_80, %add3A_451 : i32
        %get3A_453 = arith.index_cast %add3A_452 : i32 to index
        %get3A_454 = arith.constant 48 : index
        %get3A_455 = tpu.vector_load %arg4[%get3A_453, %get3A_454] {strides = array<i32>} : memref<256x128xf32, #tpu.memory_space<vmem>>, vector<1x16xf32>,
        %get3A_456 = vector.shape_cast %get3A_455 : vector<1x16xf32> to vector<16xf32>
        %add3A_457 = arith.constant 5 : i32
        %add3A_458 = arith.addi %mul3A_80, %add3A_457 : i32
        %get3A_459 = arith.index_cast %add3A_458 : i32 to index
        %get3A_460 = arith.constant 48 : index
        %get3A_461 = tpu.vector_load %arg4[%get3A_459, %get3A_460] {strides = array<i32>} : memref<256x128xf32, #tpu.memory_space<vmem>>, vector<1x16xf32>,
        %get3A_462 = vector.shape_cast %get3A_461 : vector<1x16xf32> to vector<16xf32>
        %add3A_463 = arith.constant 6 : i32
        %add3A_464 = arith.addi %mul3A_80, %add3A_463 : i32
        %get3A_465 = arith.index_cast %add3A_464 : i32 to index
        %get3A_466 = arith.constant 48 : index
        %get3A_467 = tpu.vector_load %arg4[%get3A_465, %get3A_466] {strides = array<i32>} : memref<256x128xf32, #tpu.memory_space<vmem>>, vector<1x16xf32>,
        %get3A_468 = vector.shape_cast %get3A_467 : vector<1x16xf32> to vector<16xf32>
        %add3A_469 = arith.constant 7 : i32
        %add3A_470 = arith.addi %mul3A_80, %add3A_469 : i32
        %get3A_471 = arith.index_cast %add3A_470 : i32 to index
        %get3A_472 = arith.constant 48 : index
        %get3A_473 = tpu.vector_load %arg4[%get3A_471, %get3A_472] {strides = array<i32>} : memref<256x128xf32, #tpu.memory_space<vmem>>, vector<1x16xf32>,
        %get3A_474 = vector.shape_cast %get3A_473 : vector<1x16xf32> to vector<16xf32>
        %add3A_475 = arith.constant 8 : i32
        %add3A_476 = arith.addi %mul3A_80, %add3A_475 : i32
        %get3A_477 = arith.index_cast %add3A_476 : i32 to index
        %get3A_478 = arith.constant 48 : index
        %get3A_479 = tpu.vector_load %arg4[%get3A_477, %get3A_478] {strides = array<i32>} : memref<256x128xf32, #tpu.memory_space<vmem>>, vector<1x16xf32>,
        %get3A_480 = vector.shape_cast %get3A_479 : vector<1x16xf32> to vector<16xf32>
        %add3A_481 = arith.constant 9 : i32
        %add3A_482 = arith.addi %mul3A_80, %add3A_481 : i32
        %get3A_483 = arith.index_cast %add3A_482 : i32 to index
        %get3A_484 = arith.constant 48 : index
        %get3A_485 = tpu.vector_load %arg4[%get3A_483, %get3A_484] {strides = array<i32>} : memref<256x128xf32, #tpu.memory_space<vmem>>, vector<1x16xf32>,
        %get3A_486 = vector.shape_cast %get3A_485 : vector<1x16xf32> to vector<16xf32>
        %add3A_487 = arith.constant 10 : i32
        %add3A_488 = arith.addi %mul3A_80, %add3A_487 : i32
        %get3A_489 = arith.index_cast %add3A_488 : i32 to index
        %get3A_490 = arith.constant 48 : index
        %get3A_491 = tpu.vector_load %arg4[%get3A_489, %get3A_490] {strides = array<i32>} : memref<256x128xf32, #tpu.memory_space<vmem>>, vector<1x16xf32>,
        %get3A_492 = vector.shape_cast %get3A_491 : vector<1x16xf32> to vector<16xf32>
        %add3A_493 = arith.constant 11 : i32
        %add3A_494 = arith.addi %mul3A_80, %add3A_493 : i32
        %get3A_495 = arith.index_cast %add3A_494 : i32 to index
        %get3A_496 = arith.constant 48 : index
        %get3A_497 = tpu.vector_load %arg4[%get3A_495, %get3A_496] {strides = array<i32>} : memref<256x128xf32, #tpu.memory_space<vmem>>, vector<1x16xf32>,
        %get3A_498 = vector.shape_cast %get3A_497 : vector<1x16xf32> to vector<16xf32>
        %add3A_499 = arith.constant 12 : i32
        %add3A_500 = arith.addi %mul3A_80, %add3A_499 : i32
        %get3A_501 = arith.index_cast %add3A_500 : i32 to index
        %get3A_502 = arith.constant 48 : index
        %get3A_503 = tpu.vector_load %arg4[%get3A_501, %get3A_502] {strides = array<i32>} : memref<256x128xf32, #tpu.memory_space<vmem>>, vector<1x16xf32>,
        %get3A_504 = vector.shape_cast %get3A_503 : vector<1x16xf32> to vector<16xf32>
        %add3A_505 = arith.constant 13 : i32
        %add3A_506 = arith.addi %mul3A_80, %add3A_505 : i32
        %get3A_507 = arith.index_cast %add3A_506 : i32 to index
        %get3A_508 = arith.constant 48 : index
        %get3A_509 = tpu.vector_load %arg4[%get3A_507, %get3A_508] {strides = array<i32>} : memref<256x128xf32, #tpu.memory_space<vmem>>, vector<1x16xf32>,
        %get3A_510 = vector.shape_cast %get3A_509 : vector<1x16xf32> to vector<16xf32>
        %add3A_511 = arith.constant 14 : i32
        %add3A_512 = arith.addi %mul3A_80, %add3A_511 : i32
        %get3A_513 = arith.index_cast %add3A_512 : i32 to index
        %get3A_514 = arith.constant 48 : index
        %get3A_515 = tpu.vector_load %arg4[%get3A_513, %get3A_514] {strides = array<i32>} : memref<256x128xf32, #tpu.memory_space<vmem>>, vector<1x16xf32>,
        %get3A_516 = vector.shape_cast %get3A_515 : vector<1x16xf32> to vector<16xf32>
        %add3A_517 = arith.constant 15 : i32
        %add3A_518 = arith.addi %mul3A_80, %add3A_517 : i32
        %get3A_519 = arith.index_cast %add3A_518 : i32 to index
        %get3A_520 = arith.constant 48 : index
        %get3A_521 = tpu.vector_load %arg4[%get3A_519, %get3A_520] {strides = array<i32>} : memref<256x128xf32, #tpu.memory_space<vmem>>, vector<1x16xf32>,
        %get3A_522 = vector.shape_cast %get3A_521 : vector<1x16xf32> to vector<16xf32>
        %add3A_523 = arith.addf %get3A_432, %get3A_438 : vector<16xf32>
        %add3A_524 = arith.addf %get3A_444, %get3A_450 : vector<16xf32>
        %add3A_525 = arith.addf %get3A_456, %get3A_462 : vector<16xf32>
        %add3A_526 = arith.addf %get3A_468, %get3A_474 : vector<16xf32>
        %add3A_527 = arith.addf %get3A_480, %get3A_486 : vector<16xf32>
        %add3A_528 = arith.addf %get3A_492, %get3A_498 : vector<16xf32>
        %add3A_529 = arith.addf %get3A_504, %get3A_510 : vector<16xf32>
        %add3A_530 = arith.addf %get3A_516, %get3A_522 : vector<16xf32>
        %add3A_531 = arith.addf %add3A_523, %add3A_524 : vector<16xf32>
        %add3A_532 = arith.addf %add3A_525, %add3A_526 : vector<16xf32>
        %add3A_533 = arith.addf %add3A_527, %add3A_528 : vector<16xf32>
        %add3A_534 = arith.addf %add3A_529, %add3A_530 : vector<16xf32>
        %add3A_535 = arith.addf %add3A_531, %add3A_532 : vector<16xf32>
        %add3A_536 = arith.addf %add3A_533, %add3A_534 : vector<16xf32>
        %add3A_537 = arith.addf %add3A_535, %add3A_536 : vector<16xf32>
        %swap3A_538 = arith.index_cast %scan3A_78 : i32 to index
        %swap3A_539 = arith.constant 48 : index
        %swap3A_540 = tpu.vector_load %arg6[%swap3A_538, %swap3A_539] {strides = array<i32>} : memref<16x128xf32, #tpu.memory_space<vmem>>, vector<1x16xf32>,
        %swap3A_541 = vector.shape_cast %swap3A_540 : vector<1x16xf32> to vector<16xf32>
        %swap3A_542 = vector.shape_cast %add3A_537 : vector<16xf32> to vector<1x16xf32>
        tpu.vector_store %arg6[%swap3A_538, %swap3A_539], %swap3A_542 {strides = array<i32>} : memref<16x128xf32, #tpu.memory_space<vmem>>, vector<1x16xf32>,
        %add3A_543 = arith.constant 0 : i32
        %add3A_544 = arith.addi %mul3A_80, %add3A_543 : i32
        %get3A_545 = arith.index_cast %add3A_544 : i32 to index
        %get3A_546 = arith.constant 64 : index
        %get3A_547 = tpu.vector_load %arg4[%get3A_545, %get3A_546] {strides = array<i32>} : memref<256x128xf32, #tpu.memory_space<vmem>>, vector<1x16xf32>,
        %get3A_548 = vector.shape_cast %get3A_547 : vector<1x16xf32> to vector<16xf32>
        %add3A_549 = arith.constant 1 : i32
        %add3A_550 = arith.addi %mul3A_80, %add3A_549 : i32
        %get3A_551 = arith.index_cast %add3A_550 : i32 to index
        %get3A_552 = arith.constant 64 : index
        %get3A_553 = tpu.vector_load %arg4[%get3A_551, %get3A_552] {strides = array<i32>} : memref<256x128xf32, #tpu.memory_space<vmem>>, vector<1x16xf32>,
        %get3A_554 = vector.shape_cast %get3A_553 : vector<1x16xf32> to vector<16xf32>
        %add3A_555 = arith.constant 2 : i32
        %add3A_556 = arith.addi %mul3A_80, %add3A_555 : i32
        %get3A_557 = arith.index_cast %add3A_556 : i32 to index
        %get3A_558 = arith.constant 64 : index
        %get3A_559 = tpu.vector_load %arg4[%get3A_557, %get3A_558] {strides = array<i32>} : memref<256x128xf32, #tpu.memory_space<vmem>>, vector<1x16xf32>,
        %get3A_560 = vector.shape_cast %get3A_559 : vector<1x16xf32> to vector<16xf32>
        %add3A_561 = arith.constant 3 : i32
        %add3A_562 = arith.addi %mul3A_80, %add3A_561 : i32
        %get3A_563 = arith.index_cast %add3A_562 : i32 to index
        %get3A_564 = arith.constant 64 : index
        %get3A_565 = tpu.vector_load %arg4[%get3A_563, %get3A_564] {strides = array<i32>} : memref<256x128xf32, #tpu.memory_space<vmem>>, vector<1x16xf32>,
        %get3A_566 = vector.shape_cast %get3A_565 : vector<1x16xf32> to vector<16xf32>
        %add3A_567 = arith.constant 4 : i32
        %add3A_568 = arith.addi %mul3A_80, %add3A_567 : i32
        %get3A_569 = arith.index_cast %add3A_568 : i32 to index
        %get3A_570 = arith.constant 64 : index
        %get3A_571 = tpu.vector_load %arg4[%get3A_569, %get3A_570] {strides = array<i32>} : memref<256x128xf32, #tpu.memory_space<vmem>>, vector<1x16xf32>,
        %get3A_572 = vector.shape_cast %get3A_571 : vector<1x16xf32> to vector<16xf32>
        %add3A_573 = arith.constant 5 : i32
        %add3A_574 = arith.addi %mul3A_80, %add3A_573 : i32
        %get3A_575 = arith.index_cast %add3A_574 : i32 to index
        %get3A_576 = arith.constant 64 : index
        %get3A_577 = tpu.vector_load %arg4[%get3A_575, %get3A_576] {strides = array<i32>} : memref<256x128xf32, #tpu.memory_space<vmem>>, vector<1x16xf32>,
        %get3A_578 = vector.shape_cast %get3A_577 : vector<1x16xf32> to vector<16xf32>
        %add3A_579 = arith.constant 6 : i32
        %add3A_580 = arith.addi %mul3A_80, %add3A_579 : i32
        %get3A_581 = arith.index_cast %add3A_580 : i32 to index
        %get3A_582 = arith.constant 64 : index
        %get3A_583 = tpu.vector_load %arg4[%get3A_581, %get3A_582] {strides = array<i32>} : memref<256x128xf32, #tpu.memory_space<vmem>>, vector<1x16xf32>,
        %get3A_584 = vector.shape_cast %get3A_583 : vector<1x16xf32> to vector<16xf32>
        %add3A_585 = arith.constant 7 : i32
        %add3A_586 = arith.addi %mul3A_80, %add3A_585 : i32
        %get3A_587 = arith.index_cast %add3A_586 : i32 to index
        %get3A_588 = arith.constant 64 : index
        %get3A_589 = tpu.vector_load %arg4[%get3A_587, %get3A_588] {strides = array<i32>} : memref<256x128xf32, #tpu.memory_space<vmem>>, vector<1x16xf32>,
        %get3A_590 = vector.shape_cast %get3A_589 : vector<1x16xf32> to vector<16xf32>
        %add3A_591 = arith.constant 8 : i32
        %add3A_592 = arith.addi %mul3A_80, %add3A_591 : i32
        %get3A_593 = arith.index_cast %add3A_592 : i32 to index
        %get3A_594 = arith.constant 64 : index
        %get3A_595 = tpu.vector_load %arg4[%get3A_593, %get3A_594] {strides = array<i32>} : memref<256x128xf32, #tpu.memory_space<vmem>>, vector<1x16xf32>,
        %get3A_596 = vector.shape_cast %get3A_595 : vector<1x16xf32> to vector<16xf32>
        %add3A_597 = arith.constant 9 : i32
        %add3A_598 = arith.addi %mul3A_80, %add3A_597 : i32
        %get3A_599 = arith.index_cast %add3A_598 : i32 to index
        %get3A_600 = arith.constant 64 : index
        %get3A_601 = tpu.vector_load %arg4[%get3A_599, %get3A_600] {strides = array<i32>} : memref<256x128xf32, #tpu.memory_space<vmem>>, vector<1x16xf32>,
        %get3A_602 = vector.shape_cast %get3A_601 : vector<1x16xf32> to vector<16xf32>
        %add3A_603 = arith.constant 10 : i32
        %add3A_604 = arith.addi %mul3A_80, %add3A_603 : i32
        %get3A_605 = arith.index_cast %add3A_604 : i32 to index
        %get3A_606 = arith.constant 64 : index
        %get3A_607 = tpu.vector_load %arg4[%get3A_605, %get3A_606] {strides = array<i32>} : memref<256x128xf32, #tpu.memory_space<vmem>>, vector<1x16xf32>,
        %get3A_608 = vector.shape_cast %get3A_607 : vector<1x16xf32> to vector<16xf32>
        %add3A_609 = arith.constant 11 : i32
        %add3A_610 = arith.addi %mul3A_80, %add3A_609 : i32
        %get3A_611 = arith.index_cast %add3A_610 : i32 to index
        %get3A_612 = arith.constant 64 : index
        %get3A_613 = tpu.vector_load %arg4[%get3A_611, %get3A_612] {strides = array<i32>} : memref<256x128xf32, #tpu.memory_space<vmem>>, vector<1x16xf32>,
        %get3A_614 = vector.shape_cast %get3A_613 : vector<1x16xf32> to vector<16xf32>
        %add3A_615 = arith.constant 12 : i32
        %add3A_616 = arith.addi %mul3A_80, %add3A_615 : i32
        %get3A_617 = arith.index_cast %add3A_616 : i32 to index
        %get3A_618 = arith.constant 64 : index
        %get3A_619 = tpu.vector_load %arg4[%get3A_617, %get3A_618] {strides = array<i32>} : memref<256x128xf32, #tpu.memory_space<vmem>>, vector<1x16xf32>,
        %get3A_620 = vector.shape_cast %get3A_619 : vector<1x16xf32> to vector<16xf32>
        %add3A_621 = arith.constant 13 : i32
        %add3A_622 = arith.addi %mul3A_80, %add3A_621 : i32
        %get3A_623 = arith.index_cast %add3A_622 : i32 to index
        %get3A_624 = arith.constant 64 : index
        %get3A_625 = tpu.vector_load %arg4[%get3A_623, %get3A_624] {strides = array<i32>} : memref<256x128xf32, #tpu.memory_space<vmem>>, vector<1x16xf32>,
        %get3A_626 = vector.shape_cast %get3A_625 : vector<1x16xf32> to vector<16xf32>
        %add3A_627 = arith.constant 14 : i32
        %add3A_628 = arith.addi %mul3A_80, %add3A_627 : i32
        %get3A_629 = arith.index_cast %add3A_628 : i32 to index
        %get3A_630 = arith.constant 64 : index
        %get3A_631 = tpu.vector_load %arg4[%get3A_629, %get3A_630] {strides = array<i32>} : memref<256x128xf32, #tpu.memory_space<vmem>>, vector<1x16xf32>,
        %get3A_632 = vector.shape_cast %get3A_631 : vector<1x16xf32> to vector<16xf32>
        %add3A_633 = arith.constant 15 : i32
        %add3A_634 = arith.addi %mul3A_80, %add3A_633 : i32
        %get3A_635 = arith.index_cast %add3A_634 : i32 to index
        %get3A_636 = arith.constant 64 : index
        %get3A_637 = tpu.vector_load %arg4[%get3A_635, %get3A_636] {strides = array<i32>} : memref<256x128xf32, #tpu.memory_space<vmem>>, vector<1x16xf32>,
        %get3A_638 = vector.shape_cast %get3A_637 : vector<1x16xf32> to vector<16xf32>
        %add3A_639 = arith.addf %get3A_548, %get3A_554 : vector<16xf32>
        %add3A_640 = arith.addf %get3A_560, %get3A_566 : vector<16xf32>
        %add3A_641 = arith.addf %get3A_572, %get3A_578 : vector<16xf32>
        %add3A_642 = arith.addf %get3A_584, %get3A_590 : vector<16xf32>
        %add3A_643 = arith.addf %get3A_596, %get3A_602 : vector<16xf32>
        %add3A_644 = arith.addf %get3A_608, %get3A_614 : vector<16xf32>
        %add3A_645 = arith.addf %get3A_620, %get3A_626 : vector<16xf32>
        %add3A_646 = arith.addf %get3A_632, %get3A_638 : vector<16xf32>
        %add3A_647 = arith.addf %add3A_639, %add3A_640 : vector<16xf32>
        %add3A_648 = arith.addf %add3A_641, %add3A_642 : vector<16xf32>
        %add3A_649 = arith.addf %add3A_643, %add3A_644 : vector<16xf32>
        %add3A_650 = arith.addf %add3A_645, %add3A_646 : vector<16xf32>
        %add3A_651 = arith.addf %add3A_647, %add3A_648 : vector<16xf32>
        %add3A_652 = arith.addf %add3A_649, %add3A_650 : vector<16xf32>
        %add3A_653 = arith.addf %add3A_651, %add3A_652 : vector<16xf32>
        %swap3A_654 = arith.index_cast %scan3A_78 : i32 to index
        %swap3A_655 = arith.constant 64 : index
        %swap3A_656 = tpu.vector_load %arg6[%swap3A_654, %swap3A_655] {strides = array<i32>} : memref<16x128xf32, #tpu.memory_space<vmem>>, vector<1x16xf32>,
        %swap3A_657 = vector.shape_cast %swap3A_656 : vector<1x16xf32> to vector<16xf32>
        %swap3A_658 = vector.shape_cast %add3A_653 : vector<16xf32> to vector<1x16xf32>
        tpu.vector_store %arg6[%swap3A_654, %swap3A_655], %swap3A_658 {strides = array<i32>} : memref<16x128xf32, #tpu.memory_space<vmem>>, vector<1x16xf32>,
        %add3A_659 = arith.constant 0 : i32
        %add3A_660 = arith.addi %mul3A_80, %add3A_659 : i32
        %get3A_661 = arith.index_cast %add3A_660 : i32 to index
        %get3A_662 = arith.constant 80 : index
        %get3A_663 = tpu.vector_load %arg4[%get3A_661, %get3A_662] {strides = array<i32>} : memref<256x128xf32, #tpu.memory_space<vmem>>, vector<1x16xf32>,
        %get3A_664 = vector.shape_cast %get3A_663 : vector<1x16xf32> to vector<16xf32>
        %add3A_665 = arith.constant 1 : i32
        %add3A_666 = arith.addi %mul3A_80, %add3A_665 : i32
        %get3A_667 = arith.index_cast %add3A_666 : i32 to index
        %get3A_668 = arith.constant 80 : index
        %get3A_669 = tpu.vector_load %arg4[%get3A_667, %get3A_668] {strides = array<i32>} : memref<256x128xf32, #tpu.memory_space<vmem>>, vector<1x16xf32>,
        %get3A_670 = vector.shape_cast %get3A_669 : vector<1x16xf32> to vector<16xf32>
        %add3A_671 = arith.constant 2 : i32
        %add3A_672 = arith.addi %mul3A_80, %add3A_671 : i32
        %get3A_673 = arith.index_cast %add3A_672 : i32 to index
        %get3A_674 = arith.constant 80 : index
        %get3A_675 = tpu.vector_load %arg4[%get3A_673, %get3A_674] {strides = array<i32>} : memref<256x128xf32, #tpu.memory_space<vmem>>, vector<1x16xf32>,
        %get3A_676 = vector.shape_cast %get3A_675 : vector<1x16xf32> to vector<16xf32>
        %add3A_677 = arith.constant 3 : i32
        %add3A_678 = arith.addi %mul3A_80, %add3A_677 : i32
        %get3A_679 = arith.index_cast %add3A_678 : i32 to index
        %get3A_680 = arith.constant 80 : index
        %get3A_681 = tpu.vector_load %arg4[%get3A_679, %get3A_680] {strides = array<i32>} : memref<256x128xf32, #tpu.memory_space<vmem>>, vector<1x16xf32>,
        %get3A_682 = vector.shape_cast %get3A_681 : vector<1x16xf32> to vector<16xf32>
        %add3A_683 = arith.constant 4 : i32
        %add3A_684 = arith.addi %mul3A_80, %add3A_683 : i32
        %get3A_685 = arith.index_cast %add3A_684 : i32 to index
        %get3A_686 = arith.constant 80 : index
        %get3A_687 = tpu.vector_load %arg4[%get3A_685, %get3A_686] {strides = array<i32>} : memref<256x128xf32, #tpu.memory_space<vmem>>, vector<1x16xf32>,
        %get3A_688 = vector.shape_cast %get3A_687 : vector<1x16xf32> to vector<16xf32>
        %add3A_689 = arith.constant 5 : i32
        %add3A_690 = arith.addi %mul3A_80, %add3A_689 : i32
        %get3A_691 = arith.index_cast %add3A_690 : i32 to index
        %get3A_692 = arith.constant 80 : index
        %get3A_693 = tpu.vector_load %arg4[%get3A_691, %get3A_692] {strides = array<i32>} : memref<256x128xf32, #tpu.memory_space<vmem>>, vector<1x16xf32>,
        %get3A_694 = vector.shape_cast %get3A_693 : vector<1x16xf32> to vector<16xf32>
        %add3A_695 = arith.constant 6 : i32
        %add3A_696 = arith.addi %mul3A_80, %add3A_695 : i32
        %get3A_697 = arith.index_cast %add3A_696 : i32 to index
        %get3A_698 = arith.constant 80 : index
        %get3A_699 = tpu.vector_load %arg4[%get3A_697, %get3A_698] {strides = array<i32>} : memref<256x128xf32, #tpu.memory_space<vmem>>, vector<1x16xf32>,
        %get3A_700 = vector.shape_cast %get3A_699 : vector<1x16xf32> to vector<16xf32>
        %add3A_701 = arith.constant 7 : i32
        %add3A_702 = arith.addi %mul3A_80, %add3A_701 : i32
        %get3A_703 = arith.index_cast %add3A_702 : i32 to index
        %get3A_704 = arith.constant 80 : index
        %get3A_705 = tpu.vector_load %arg4[%get3A_703, %get3A_704] {strides = array<i32>} : memref<256x128xf32, #tpu.memory_space<vmem>>, vector<1x16xf32>,
        %get3A_706 = vector.shape_cast %get3A_705 : vector<1x16xf32> to vector<16xf32>
        %add3A_707 = arith.constant 8 : i32
        %add3A_708 = arith.addi %mul3A_80, %add3A_707 : i32
        %get3A_709 = arith.index_cast %add3A_708 : i32 to index
        %get3A_710 = arith.constant 80 : index
        %get3A_711 = tpu.vector_load %arg4[%get3A_709, %get3A_710] {strides = array<i32>} : memref<256x128xf32, #tpu.memory_space<vmem>>, vector<1x16xf32>,
        %get3A_712 = vector.shape_cast %get3A_711 : vector<1x16xf32> to vector<16xf32>
        %add3A_713 = arith.constant 9 : i32
        %add3A_714 = arith.addi %mul3A_80, %add3A_713 : i32
        %get3A_715 = arith.index_cast %add3A_714 : i32 to index
        %get3A_716 = arith.constant 80 : index
        %get3A_717 = tpu.vector_load %arg4[%get3A_715, %get3A_716] {strides = array<i32>} : memref<256x128xf32, #tpu.memory_space<vmem>>, vector<1x16xf32>,
        %get3A_718 = vector.shape_cast %get3A_717 : vector<1x16xf32> to vector<16xf32>
        %add3A_719 = arith.constant 10 : i32
        %add3A_720 = arith.addi %mul3A_80, %add3A_719 : i32
        %get3A_721 = arith.index_cast %add3A_720 : i32 to index
        %get3A_722 = arith.constant 80 : index
        %get3A_723 = tpu.vector_load %arg4[%get3A_721, %get3A_722] {strides = array<i32>} : memref<256x128xf32, #tpu.memory_space<vmem>>, vector<1x16xf32>,
        %get3A_724 = vector.shape_cast %get3A_723 : vector<1x16xf32> to vector<16xf32>
        %add3A_725 = arith.constant 11 : i32
        %add3A_726 = arith.addi %mul3A_80, %add3A_725 : i32
        %get3A_727 = arith.index_cast %add3A_726 : i32 to index
        %get3A_728 = arith.constant 80 : index
        %get3A_729 = tpu.vector_load %arg4[%get3A_727, %get3A_728] {strides = array<i32>} : memref<256x128xf32, #tpu.memory_space<vmem>>, vector<1x16xf32>,
        %get3A_730 = vector.shape_cast %get3A_729 : vector<1x16xf32> to vector<16xf32>
        %add3A_731 = arith.constant 12 : i32
        %add3A_732 = arith.addi %mul3A_80, %add3A_731 : i32
        %get3A_733 = arith.index_cast %add3A_732 : i32 to index
        %get3A_734 = arith.constant 80 : index
        %get3A_735 = tpu.vector_load %arg4[%get3A_733, %get3A_734] {strides = array<i32>} : memref<256x128xf32, #tpu.memory_space<vmem>>, vector<1x16xf32>,
        %get3A_736 = vector.shape_cast %get3A_735 : vector<1x16xf32> to vector<16xf32>
        %add3A_737 = arith.constant 13 : i32
        %add3A_738 = arith.addi %mul3A_80, %add3A_737 : i32
        %get3A_739 = arith.index_cast %add3A_738 : i32 to index
        %get3A_740 = arith.constant 80 : index
        %get3A_741 = tpu.vector_load %arg4[%get3A_739, %get3A_740] {strides = array<i32>} : memref<256x128xf32, #tpu.memory_space<vmem>>, vector<1x16xf32>,
        %get3A_742 = vector.shape_cast %get3A_741 : vector<1x16xf32> to vector<16xf32>
        %add3A_743 = arith.constant 14 : i32
        %add3A_744 = arith.addi %mul3A_80, %add3A_743 : i32
        %get3A_745 = arith.index_cast %add3A_744 : i32 to index
        %get3A_746 = arith.constant 80 : index
        %get3A_747 = tpu.vector_load %arg4[%get3A_745, %get3A_746] {strides = array<i32>} : memref<256x128xf32, #tpu.memory_space<vmem>>, vector<1x16xf32>,
        %get3A_748 = vector.shape_cast %get3A_747 : vector<1x16xf32> to vector<16xf32>
        %add3A_749 = arith.constant 15 : i32
        %add3A_750 = arith.addi %mul3A_80, %add3A_749 : i32
        %get3A_751 = arith.index_cast %add3A_750 : i32 to index
        %get3A_752 = arith.constant 80 : index
        %get3A_753 = tpu.vector_load %arg4[%get3A_751, %get3A_752] {strides = array<i32>} : memref<256x128xf32, #tpu.memory_space<vmem>>, vector<1x16xf32>,
        %get3A_754 = vector.shape_cast %get3A_753 : vector<1x16xf32> to vector<16xf32>
        %add3A_755 = arith.addf %get3A_664, %get3A_670 : vector<16xf32>
        %add3A_756 = arith.addf %get3A_676, %get3A_682 : vector<16xf32>
        %add3A_757 = arith.addf %get3A_688, %get3A_694 : vector<16xf32>
        %add3A_758 = arith.addf %get3A_700, %get3A_706 : vector<16xf32>
        %add3A_759 = arith.addf %get3A_712, %get3A_718 : vector<16xf32>
        %add3A_760 = arith.addf %get3A_724, %get3A_730 : vector<16xf32>
        %add3A_761 = arith.addf %get3A_736, %get3A_742 : vector<16xf32>
        %add3A_762 = arith.addf %get3A_748, %get3A_754 : vector<16xf32>
        %add3A_763 = arith.addf %add3A_755, %add3A_756 : vector<16xf32>
        %add3A_764 = arith.addf %add3A_757, %add3A_758 : vector<16xf32>
        %add3A_765 = arith.addf %add3A_759, %add3A_760 : vector<16xf32>
        %add3A_766 = arith.addf %add3A_761, %add3A_762 : vector<16xf32>
        %add3A_767 = arith.addf %add3A_763, %add3A_764 : vector<16xf32>
        %add3A_768 = arith.addf %add3A_765, %add3A_766 : vector<16xf32>
        %add3A_769 = arith.addf %add3A_767, %add3A_768 : vector<16xf32>
        %swap3A_770 = arith.index_cast %scan3A_78 : i32 to index
        %swap3A_771 = arith.constant 80 : index
        %swap3A_772 = tpu.vector_load %arg6[%swap3A_770, %swap3A_771] {strides = array<i32>} : memref<16x128xf32, #tpu.memory_space<vmem>>, vector<1x16xf32>,
        %swap3A_773 = vector.shape_cast %swap3A_772 : vector<1x16xf32> to vector<16xf32>
        %swap3A_774 = vector.shape_cast %add3A_769 : vector<16xf32> to vector<1x16xf32>
        tpu.vector_store %arg6[%swap3A_770, %swap3A_771], %swap3A_774 {strides = array<i32>} : memref<16x128xf32, #tpu.memory_space<vmem>>, vector<1x16xf32>,
        %add3A_775 = arith.constant 0 : i32
        %add3A_776 = arith.addi %mul3A_80, %add3A_775 : i32
        %get3A_777 = arith.index_cast %add3A_776 : i32 to index
        %get3A_778 = arith.constant 96 : index
        %get3A_779 = tpu.vector_load %arg4[%get3A_777, %get3A_778] {strides = array<i32>} : memref<256x128xf32, #tpu.memory_space<vmem>>, vector<1x16xf32>,
        %get3A_780 = vector.shape_cast %get3A_779 : vector<1x16xf32> to vector<16xf32>
        %add3A_781 = arith.constant 1 : i32
        %add3A_782 = arith.addi %mul3A_80, %add3A_781 : i32
        %get3A_783 = arith.index_cast %add3A_782 : i32 to index
        %get3A_784 = arith.constant 96 : index
        %get3A_785 = tpu.vector_load %arg4[%get3A_783, %get3A_784] {strides = array<i32>} : memref<256x128xf32, #tpu.memory_space<vmem>>, vector<1x16xf32>,
        %get3A_786 = vector.shape_cast %get3A_785 : vector<1x16xf32> to vector<16xf32>
        %add3A_787 = arith.constant 2 : i32
        %add3A_788 = arith.addi %mul3A_80, %add3A_787 : i32
        %get3A_789 = arith.index_cast %add3A_788 : i32 to index
        %get3A_790 = arith.constant 96 : index
        %get3A_791 = tpu.vector_load %arg4[%get3A_789, %get3A_790] {strides = array<i32>} : memref<256x128xf32, #tpu.memory_space<vmem>>, vector<1x16xf32>,
        %get3A_792 = vector.shape_cast %get3A_791 : vector<1x16xf32> to vector<16xf32>
        %add3A_793 = arith.constant 3 : i32
        %add3A_794 = arith.addi %mul3A_80, %add3A_793 : i32
        %get3A_795 = arith.index_cast %add3A_794 : i32 to index
        %get3A_796 = arith.constant 96 : index
        %get3A_797 = tpu.vector_load %arg4[%get3A_795, %get3A_796] {strides = array<i32>} : memref<256x128xf32, #tpu.memory_space<vmem>>, vector<1x16xf32>,
        %get3A_798 = vector.shape_cast %get3A_797 : vector<1x16xf32> to vector<16xf32>
        %add3A_799 = arith.constant 4 : i32
        %add3A_800 = arith.addi %mul3A_80, %add3A_799 : i32
        %get3A_801 = arith.index_cast %add3A_800 : i32 to index
        %get3A_802 = arith.constant 96 : index
        %get3A_803 = tpu.vector_load %arg4[%get3A_801, %get3A_802] {strides = array<i32>} : memref<256x128xf32, #tpu.memory_space<vmem>>, vector<1x16xf32>,
        %get3A_804 = vector.shape_cast %get3A_803 : vector<1x16xf32> to vector<16xf32>
        %add3A_805 = arith.constant 5 : i32
        %add3A_806 = arith.addi %mul3A_80, %add3A_805 : i32
        %get3A_807 = arith.index_cast %add3A_806 : i32 to index
        %get3A_808 = arith.constant 96 : index
        %get3A_809 = tpu.vector_load %arg4[%get3A_807, %get3A_808] {strides = array<i32>} : memref<256x128xf32, #tpu.memory_space<vmem>>, vector<1x16xf32>,
        %get3A_810 = vector.shape_cast %get3A_809 : vector<1x16xf32> to vector<16xf32>
        %add3A_811 = arith.constant 6 : i32
        %add3A_812 = arith.addi %mul3A_80, %add3A_811 : i32
        %get3A_813 = arith.index_cast %add3A_812 : i32 to index
        %get3A_814 = arith.constant 96 : index
        %get3A_815 = tpu.vector_load %arg4[%get3A_813, %get3A_814] {strides = array<i32>} : memref<256x128xf32, #tpu.memory_space<vmem>>, vector<1x16xf32>,
        %get3A_816 = vector.shape_cast %get3A_815 : vector<1x16xf32> to vector<16xf32>
        %add3A_817 = arith.constant 7 : i32
        %add3A_818 = arith.addi %mul3A_80, %add3A_817 : i32
        %get3A_819 = arith.index_cast %add3A_818 : i32 to index
        %get3A_820 = arith.constant 96 : index
        %get3A_821 = tpu.vector_load %arg4[%get3A_819, %get3A_820] {strides = array<i32>} : memref<256x128xf32, #tpu.memory_space<vmem>>, vector<1x16xf32>,
        %get3A_822 = vector.shape_cast %get3A_821 : vector<1x16xf32> to vector<16xf32>
        %add3A_823 = arith.constant 8 : i32
        %add3A_824 = arith.addi %mul3A_80, %add3A_823 : i32
        %get3A_825 = arith.index_cast %add3A_824 : i32 to index
        %get3A_826 = arith.constant 96 : index
        %get3A_827 = tpu.vector_load %arg4[%get3A_825, %get3A_826] {strides = array<i32>} : memref<256x128xf32, #tpu.memory_space<vmem>>, vector<1x16xf32>,
        %get3A_828 = vector.shape_cast %get3A_827 : vector<1x16xf32> to vector<16xf32>
        %add3A_829 = arith.constant 9 : i32
        %add3A_830 = arith.addi %mul3A_80, %add3A_829 : i32
        %get3A_831 = arith.index_cast %add3A_830 : i32 to index
        %get3A_832 = arith.constant 96 : index
        %get3A_833 = tpu.vector_load %arg4[%get3A_831, %get3A_832] {strides = array<i32>} : memref<256x128xf32, #tpu.memory_space<vmem>>, vector<1x16xf32>,
        %get3A_834 = vector.shape_cast %get3A_833 : vector<1x16xf32> to vector<16xf32>
        %add3A_835 = arith.constant 10 : i32
        %add3A_836 = arith.addi %mul3A_80, %add3A_835 : i32
        %get3A_837 = arith.index_cast %add3A_836 : i32 to index
        %get3A_838 = arith.constant 96 : index
        %get3A_839 = tpu.vector_load %arg4[%get3A_837, %get3A_838] {strides = array<i32>} : memref<256x128xf32, #tpu.memory_space<vmem>>, vector<1x16xf32>,
        %get3A_840 = vector.shape_cast %get3A_839 : vector<1x16xf32> to vector<16xf32>
        %add3A_841 = arith.constant 11 : i32
        %add3A_842 = arith.addi %mul3A_80, %add3A_841 : i32
        %get3A_843 = arith.index_cast %add3A_842 : i32 to index
        %get3A_844 = arith.constant 96 : index
        %get3A_845 = tpu.vector_load %arg4[%get3A_843, %get3A_844] {strides = array<i32>} : memref<256x128xf32, #tpu.memory_space<vmem>>, vector<1x16xf32>,
        %get3A_846 = vector.shape_cast %get3A_845 : vector<1x16xf32> to vector<16xf32>
        %add3A_847 = arith.constant 12 : i32
        %add3A_848 = arith.addi %mul3A_80, %add3A_847 : i32
        %get3A_849 = arith.index_cast %add3A_848 : i32 to index
        %get3A_850 = arith.constant 96 : index
        %get3A_851 = tpu.vector_load %arg4[%get3A_849, %get3A_850] {strides = array<i32>} : memref<256x128xf32, #tpu.memory_space<vmem>>, vector<1x16xf32>,
        %get3A_852 = vector.shape_cast %get3A_851 : vector<1x16xf32> to vector<16xf32>
        %add3A_853 = arith.constant 13 : i32
        %add3A_854 = arith.addi %mul3A_80, %add3A_853 : i32
        %get3A_855 = arith.index_cast %add3A_854 : i32 to index
        %get3A_856 = arith.constant 96 : index
        %get3A_857 = tpu.vector_load %arg4[%get3A_855, %get3A_856] {strides = array<i32>} : memref<256x128xf32, #tpu.memory_space<vmem>>, vector<1x16xf32>,
        %get3A_858 = vector.shape_cast %get3A_857 : vector<1x16xf32> to vector<16xf32>
        %add3A_859 = arith.constant 14 : i32
        %add3A_860 = arith.addi %mul3A_80, %add3A_859 : i32
        %get3A_861 = arith.index_cast %add3A_860 : i32 to index
        %get3A_862 = arith.constant 96 : index
        %get3A_863 = tpu.vector_load %arg4[%get3A_861, %get3A_862] {strides = array<i32>} : memref<256x128xf32, #tpu.memory_space<vmem>>, vector<1x16xf32>,
        %get3A_864 = vector.shape_cast %get3A_863 : vector<1x16xf32> to vector<16xf32>
        %add3A_865 = arith.constant 15 : i32
        %add3A_866 = arith.addi %mul3A_80, %add3A_865 : i32
        %get3A_867 = arith.index_cast %add3A_866 : i32 to index
        %get3A_868 = arith.constant 96 : index
        %get3A_869 = tpu.vector_load %arg4[%get3A_867, %get3A_868] {strides = array<i32>} : memref<256x128xf32, #tpu.memory_space<vmem>>, vector<1x16xf32>,
        %get3A_870 = vector.shape_cast %get3A_869 : vector<1x16xf32> to vector<16xf32>
        %add3A_871 = arith.addf %get3A_780, %get3A_786 : vector<16xf32>
        %add3A_872 = arith.addf %get3A_792, %get3A_798 : vector<16xf32>
        %add3A_873 = arith.addf %get3A_804, %get3A_810 : vector<16xf32>
        %add3A_874 = arith.addf %get3A_816, %get3A_822 : vector<16xf32>
        %add3A_875 = arith.addf %get3A_828, %get3A_834 : vector<16xf32>
        %add3A_876 = arith.addf %get3A_840, %get3A_846 : vector<16xf32>
        %add3A_877 = arith.addf %get3A_852, %get3A_858 : vector<16xf32>
        %add3A_878 = arith.addf %get3A_864, %get3A_870 : vector<16xf32>
        %add3A_879 = arith.addf %add3A_871, %add3A_872 : vector<16xf32>
        %add3A_880 = arith.addf %add3A_873, %add3A_874 : vector<16xf32>
        %add3A_881 = arith.addf %add3A_875, %add3A_876 : vector<16xf32>
        %add3A_882 = arith.addf %add3A_877, %add3A_878 : vector<16xf32>
        %add3A_883 = arith.addf %add3A_879, %add3A_880 : vector<16xf32>
        %add3A_884 = arith.addf %add3A_881, %add3A_882 : vector<16xf32>
        %add3A_885 = arith.addf %add3A_883, %add3A_884 : vector<16xf32>
        %swap3A_886 = arith.index_cast %scan3A_78 : i32 to index
        %swap3A_887 = arith.constant 96 : index
        %swap3A_888 = tpu.vector_load %arg6[%swap3A_886, %swap3A_887] {strides = array<i32>} : memref<16x128xf32, #tpu.memory_space<vmem>>, vector<1x16xf32>,
        %swap3A_889 = vector.shape_cast %swap3A_888 : vector<1x16xf32> to vector<16xf32>
        %swap3A_890 = vector.shape_cast %add3A_885 : vector<16xf32> to vector<1x16xf32>
        tpu.vector_store %arg6[%swap3A_886, %swap3A_887], %swap3A_890 {strides = array<i32>} : memref<16x128xf32, #tpu.memory_space<vmem>>, vector<1x16xf32>,
        %add3A_891 = arith.constant 0 : i32
        %add3A_892 = arith.addi %mul3A_80, %add3A_891 : i32
        %get3A_893 = arith.index_cast %add3A_892 : i32 to index
        %get3A_894 = arith.constant 112 : index
        %get3A_895 = tpu.vector_load %arg4[%get3A_893, %get3A_894] {strides = array<i32>} : memref<256x128xf32, #tpu.memory_space<vmem>>, vector<1x16xf32>,
        %get3A_896 = vector.shape_cast %get3A_895 : vector<1x16xf32> to vector<16xf32>
        %add3A_897 = arith.constant 1 : i32
        %add3A_898 = arith.addi %mul3A_80, %add3A_897 : i32
        %get3A_899 = arith.index_cast %add3A_898 : i32 to index
        %get3A_900 = arith.constant 112 : index
        %get3A_901 = tpu.vector_load %arg4[%get3A_899, %get3A_900] {strides = array<i32>} : memref<256x128xf32, #tpu.memory_space<vmem>>, vector<1x16xf32>,
        %get3A_902 = vector.shape_cast %get3A_901 : vector<1x16xf32> to vector<16xf32>
        %add3A_903 = arith.constant 2 : i32
        %add3A_904 = arith.addi %mul3A_80, %add3A_903 : i32
        %get3A_905 = arith.index_cast %add3A_904 : i32 to index
        %get3A_906 = arith.constant 112 : index
        %get3A_907 = tpu.vector_load %arg4[%get3A_905, %get3A_906] {strides = array<i32>} : memref<256x128xf32, #tpu.memory_space<vmem>>, vector<1x16xf32>,
        %get3A_908 = vector.shape_cast %get3A_907 : vector<1x16xf32> to vector<16xf32>
        %add3A_909 = arith.constant 3 : i32
        %add3A_910 = arith.addi %mul3A_80, %add3A_909 : i32
        %get3A_911 = arith.index_cast %add3A_910 : i32 to index
        %get3A_912 = arith.constant 112 : index
        %get3A_913 = tpu.vector_load %arg4[%get3A_911, %get3A_912] {strides = array<i32>} : memref<256x128xf32, #tpu.memory_space<vmem>>, vector<1x16xf32>,
        %get3A_914 = vector.shape_cast %get3A_913 : vector<1x16xf32> to vector<16xf32>
        %add3A_915 = arith.constant 4 : i32
        %add3A_916 = arith.addi %mul3A_80, %add3A_915 : i32
        %get3A_917 = arith.index_cast %add3A_916 : i32 to index
        %get3A_918 = arith.constant 112 : index
        %get3A_919 = tpu.vector_load %arg4[%get3A_917, %get3A_918] {strides = array<i32>} : memref<256x128xf32, #tpu.memory_space<vmem>>, vector<1x16xf32>,
        %get3A_920 = vector.shape_cast %get3A_919 : vector<1x16xf32> to vector<16xf32>
        %add3A_921 = arith.constant 5 : i32
        %add3A_922 = arith.addi %mul3A_80, %add3A_921 : i32
        %get3A_923 = arith.index_cast %add3A_922 : i32 to index
        %get3A_924 = arith.constant 112 : index
        %get3A_925 = tpu.vector_load %arg4[%get3A_923, %get3A_924] {strides = array<i32>} : memref<256x128xf32, #tpu.memory_space<vmem>>, vector<1x16xf32>,
        %get3A_926 = vector.shape_cast %get3A_925 : vector<1x16xf32> to vector<16xf32>
        %add3A_927 = arith.constant 6 : i32
        %add3A_928 = arith.addi %mul3A_80, %add3A_927 : i32
        %get3A_929 = arith.index_cast %add3A_928 : i32 to index
        %get3A_930 = arith.constant 112 : index
        %get3A_931 = tpu.vector_load %arg4[%get3A_929, %get3A_930] {strides = array<i32>} : memref<256x128xf32, #tpu.memory_space<vmem>>, vector<1x16xf32>,
        %get3A_932 = vector.shape_cast %get3A_931 : vector<1x16xf32> to vector<16xf32>
        %add3A_933 = arith.constant 7 : i32
        %add3A_934 = arith.addi %mul3A_80, %add3A_933 : i32
        %get3A_935 = arith.index_cast %add3A_934 : i32 to index
        %get3A_936 = arith.constant 112 : index
        %get3A_937 = tpu.vector_load %arg4[%get3A_935, %get3A_936] {strides = array<i32>} : memref<256x128xf32, #tpu.memory_space<vmem>>, vector<1x16xf32>,
        %get3A_938 = vector.shape_cast %get3A_937 : vector<1x16xf32> to vector<16xf32>
        %add3A_939 = arith.constant 8 : i32
        %add3A_940 = arith.addi %mul3A_80, %add3A_939 : i32
        %get3A_941 = arith.index_cast %add3A_940 : i32 to index
        %get3A_942 = arith.constant 112 : index
        %get3A_943 = tpu.vector_load %arg4[%get3A_941, %get3A_942] {strides = array<i32>} : memref<256x128xf32, #tpu.memory_space<vmem>>, vector<1x16xf32>,
        %get3A_944 = vector.shape_cast %get3A_943 : vector<1x16xf32> to vector<16xf32>
        %add3A_945 = arith.constant 9 : i32
        %add3A_946 = arith.addi %mul3A_80, %add3A_945 : i32
        %get3A_947 = arith.index_cast %add3A_946 : i32 to index
        %get3A_948 = arith.constant 112 : index
        %get3A_949 = tpu.vector_load %arg4[%get3A_947, %get3A_948] {strides = array<i32>} : memref<256x128xf32, #tpu.memory_space<vmem>>, vector<1x16xf32>,
        %get3A_950 = vector.shape_cast %get3A_949 : vector<1x16xf32> to vector<16xf32>
        %add3A_951 = arith.constant 10 : i32
        %add3A_952 = arith.addi %mul3A_80, %add3A_951 : i32
        %get3A_953 = arith.index_cast %add3A_952 : i32 to index
        %get3A_954 = arith.constant 112 : index
        %get3A_955 = tpu.vector_load %arg4[%get3A_953, %get3A_954] {strides = array<i32>} : memref<256x128xf32, #tpu.memory_space<vmem>>, vector<1x16xf32>,
        %get3A_956 = vector.shape_cast %get3A_955 : vector<1x16xf32> to vector<16xf32>
        %add3A_957 = arith.constant 11 : i32
        %add3A_958 = arith.addi %mul3A_80, %add3A_957 : i32
        %get3A_959 = arith.index_cast %add3A_958 : i32 to index
        %get3A_960 = arith.constant 112 : index
        %get3A_961 = tpu.vector_load %arg4[%get3A_959, %get3A_960] {strides = array<i32>} : memref<256x128xf32, #tpu.memory_space<vmem>>, vector<1x16xf32>,
        %get3A_962 = vector.shape_cast %get3A_961 : vector<1x16xf32> to vector<16xf32>
        %add3A_963 = arith.constant 12 : i32
        %add3A_964 = arith.addi %mul3A_80, %add3A_963 : i32
        %get3A_965 = arith.index_cast %add3A_964 : i32 to index
        %get3A_966 = arith.constant 112 : index
        %get3A_967 = tpu.vector_load %arg4[%get3A_965, %get3A_966] {strides = array<i32>} : memref<256x128xf32, #tpu.memory_space<vmem>>, vector<1x16xf32>,
        %get3A_968 = vector.shape_cast %get3A_967 : vector<1x16xf32> to vector<16xf32>
        %add3A_969 = arith.constant 13 : i32
        %add3A_970 = arith.addi %mul3A_80, %add3A_969 : i32
        %get3A_971 = arith.index_cast %add3A_970 : i32 to index
        %get3A_972 = arith.constant 112 : index
        %get3A_973 = tpu.vector_load %arg4[%get3A_971, %get3A_972] {strides = array<i32>} : memref<256x128xf32, #tpu.memory_space<vmem>>, vector<1x16xf32>,
        %get3A_974 = vector.shape_cast %get3A_973 : vector<1x16xf32> to vector<16xf32>
        %add3A_975 = arith.constant 14 : i32
        %add3A_976 = arith.addi %mul3A_80, %add3A_975 : i32
        %get3A_977 = arith.index_cast %add3A_976 : i32 to index
        %get3A_978 = arith.constant 112 : index
        %get3A_979 = tpu.vector_load %arg4[%get3A_977, %get3A_978] {strides = array<i32>} : memref<256x128xf32, #tpu.memory_space<vmem>>, vector<1x16xf32>,
        %get3A_980 = vector.shape_cast %get3A_979 : vector<1x16xf32> to vector<16xf32>
        %add3A_981 = arith.constant 15 : i32
        %add3A_982 = arith.addi %mul3A_80, %add3A_981 : i32
        %get3A_983 = arith.index_cast %add3A_982 : i32 to index
        %get3A_984 = arith.constant 112 : index
        %get3A_985 = tpu.vector_load %arg4[%get3A_983, %get3A_984] {strides = array<i32>} : memref<256x128xf32, #tpu.memory_space<vmem>>, vector<1x16xf32>,
        %get3A_986 = vector.shape_cast %get3A_985 : vector<1x16xf32> to vector<16xf32>
        %add3A_987 = arith.addf %get3A_896, %get3A_902 : vector<16xf32>
        %add3A_988 = arith.addf %get3A_908, %get3A_914 : vector<16xf32>
        %add3A_989 = arith.addf %get3A_920, %get3A_926 : vector<16xf32>
        %add3A_990 = arith.addf %get3A_932, %get3A_938 : vector<16xf32>
        %add3A_991 = arith.addf %get3A_944, %get3A_950 : vector<16xf32>
        %add3A_992 = arith.addf %get3A_956, %get3A_962 : vector<16xf32>
        %add3A_993 = arith.addf %get3A_968, %get3A_974 : vector<16xf32>
        %add3A_994 = arith.addf %get3A_980, %get3A_986 : vector<16xf32>
        %add3A_995 = arith.addf %add3A_987, %add3A_988 : vector<16xf32>
        %add3A_996 = arith.addf %add3A_989, %add3A_990 : vector<16xf32>
        %add3A_997 = arith.addf %add3A_991, %add3A_992 : vector<16xf32>
        %add3A_998 = arith.addf %add3A_993, %add3A_994 : vector<16xf32>
        %add3A_999 = arith.addf %add3A_995, %add3A_996 : vector<16xf32>
        %add3A_1000 = arith.addf %add3A_997, %add3A_998 : vector<16xf32>
        %add3A_1001 = arith.addf %add3A_999, %add3A_1000 : vector<16xf32>
        %swap3A_1002 = arith.index_cast %scan3A_78 : i32 to index
        %swap3A_1003 = arith.constant 112 : index
        %swap3A_1004 = tpu.vector_load %arg6[%swap3A_1002, %swap3A_1003] {strides = array<i32>} : memref<16x128xf32, #tpu.memory_space<vmem>>, vector<1x16xf32>,
        %swap3A_1005 = vector.shape_cast %swap3A_1004 : vector<1x16xf32> to vector<16xf32>
        %swap3A_1006 = vector.shape_cast %add3A_1001 : vector<16xf32> to vector<1x16xf32>
        tpu.vector_store %arg6[%swap3A_1002, %swap3A_1003], %swap3A_1006 {strides = array<i32>} : memref<16x128xf32, #tpu.memory_space<vmem>>, vector<1x16xf32>,
      }
      %scan3A_39 = arith.constant 16 : i32
      %mul3A_40 = arith.constant 512 : i32
      %mul3A_41 = arith.muli %add3A, %mul3A_40 : i32
      %mul3A_42 = arith.constant 16 : i32
      %mul3A_43 = arith.muli %add3A_19, %mul3A_42 : i32
      %add3A_44 = arith.addi %mul3A_41, %mul3A_43 : i32
      "tpu.region"() ({
        %run_scoped3A = tpu.sem_alloc : memref<!tpu.dma_semaphore, #tpu.memory_space<semaphore_mem>>
        %dma_start3A_78 = arith.constant 0 : i32
        %dma_start3A_79 = tpu.memref_slice %arg3[%add3A_44, %dma_start3A_78] : memref<16384x128xf32, #tpu.memory_space<hbm>> -> memref<16x128xf32, #tpu.memory_space<hbm>>
        %dma_start3A_80 = arith.constant 0 : i32
        %dma_start3A_81 = tpu.memref_slice %arg3[%add3A_44, %dma_start3A_80] : memref<16384x128xf32, #tpu.memory_space<hbm>> -> memref<16x128xf32, #tpu.memory_space<hbm>>
        tpu.enqueue_dma source(%arg6 : memref<16x128xf32, #tpu.memory_space<vmem>>) target(%dma_start3A_81 : memref<16x128xf32, #tpu.memory_space<hbm>>) target_semaphore(%run_scoped3A : memref<!tpu.dma_semaphore, #tpu.memory_space<semaphore_mem>>)
        %dma_wait3A_82 = arith.constant 0 : i32
        %dma_wait3A_83 = tpu.memref_slice %arg3[%add3A_44, %dma_wait3A_82] : memref<16384x128xf32, #tpu.memory_space<hbm>> -> memref<16x128xf32, #tpu.memory_space<hbm>>
        %dma_wait3A_84 = arith.constant 0 : i32
        %dma_wait3A_85 = tpu.memref_slice %arg3[%add3A_44, %dma_wait3A_84] : memref<16384x128xf32, #tpu.memory_space<hbm>> -> memref<16x128xf32, #tpu.memory_space<hbm>>
        tpu.wait_dma2 semaphore(%run_scoped3A : memref<!tpu.dma_semaphore, #tpu.memory_space<semaphore_mem>>) src(%arg6 : memref<16x128xf32, #tpu.memory_space<vmem>>) dst(%dma_wait3A_85 : memref<16x128xf32, #tpu.memory_space<hbm>>)
        tpu.yield
      }) : () -> ()
      %mul3A_45 = arith.constant 2 : i32
      %mul3A_46 = arith.muli %scan3A_15, %mul3A_45 : i32
      %add3A_47 = arith.constant 1 : i32
      %add3A_48 = arith.addi %mul3A_46, %add3A_47 : i32
      %add3A_49 = arith.constant 1 : i32
      %add3A_50 = arith.addi %add3A_48, %add3A_49 : i32
      %lt3A_51 = arith.constant 32 : i32
      %lt3A_52 = arith.cmpi slt, %add3A_50, %lt3A_51 : i32
      %convert_element_type3A_53 = arith.extui %lt3A_52 : i1 to i32
      %cond3A_54 = arith.constant 0 : i32
      %cond3A_55 = arith.cmpi ne, %convert_element_type3A_53, %cond3A_54 : i32
      scf.if %cond3A_55 {
        %add3A_78 = arith.constant 1 : i32
        %add3A_79 = arith.addi %add3A_48, %add3A_78 : i32
        %mul3A_80 = arith.constant 512 : i32
        %mul3A_81 = arith.muli %add3A, %mul3A_80 : i32
        %mul3A_82 = arith.constant 16 : i32
        %mul3A_83 = arith.muli %add3A_79, %mul3A_82 : i32
        %add3A_84 = arith.addi %mul3A_81, %mul3A_83 : i32
        %mul3A_85 = arith.constant 16 : i32
        %mul3A_86 = arith.muli %add3A_84, %mul3A_85 : i32
        %dma_start3A_87 = arith.constant 0 : i32
        %dma_start3A_88 = tpu.memref_slice %arg2[%mul3A_86, %dma_start3A_87] : memref<262144x128xf32, #tpu.memory_space<hbm>> -> memref<256x128xf32, #tpu.memory_space<hbm>>
        %dma_start3A_89 = arith.constant 0 : i32
        %dma_start3A_90 = tpu.memref_slice %arg2[%mul3A_86, %dma_start3A_89] : memref<262144x128xf32, #tpu.memory_space<hbm>> -> memref<256x128xf32, #tpu.memory_space<hbm>>
        tpu.enqueue_dma source(%dma_start3A_90 : memref<256x128xf32, #tpu.memory_space<hbm>>) target(%arg4 : memref<256x128xf32, #tpu.memory_space<vmem>>) target_semaphore(%arg7 : memref<!tpu.dma_semaphore, #tpu.memory_space<semaphore_mem>>)
      } else {
      }
      %mul3A_56 = arith.constant 512 : i32
      %mul3A_57 = arith.muli %add3A, %mul3A_56 : i32
      %mul3A_58 = arith.constant 16 : i32
      %mul3A_59 = arith.muli %add3A_48, %mul3A_58 : i32
      %add3A_60 = arith.addi %mul3A_57, %mul3A_59 : i32
      %mul3A_61 = arith.constant 16 : i32
      %mul3A_62 = arith.muli %add3A_60, %mul3A_61 : i32
      %dma_wait3A_63 = arith.constant 0 : i32
      %dma_wait3A_64 = tpu.memref_slice %arg2[%mul3A_62, %dma_wait3A_63] : memref<262144x128xf32, #tpu.memory_space<hbm>> -> memref<256x128xf32, #tpu.memory_space<hbm>>
      %dma_wait3A_65 = arith.constant 0 : i32
      %dma_wait3A_66 = tpu.memref_slice %arg2[%mul3A_62, %dma_wait3A_65] : memref<262144x128xf32, #tpu.memory_space<hbm>> -> memref<256x128xf32, #tpu.memory_space<hbm>>
      tpu.wait_dma2 semaphore(%arg8 : memref<!tpu.dma_semaphore, #tpu.memory_space<semaphore_mem>>) src(%dma_wait3A_66 : memref<256x128xf32, #tpu.memory_space<hbm>>) dst(%arg5 : memref<256x128xf32, #tpu.memory_space<vmem>>)
      %scan3A_67 = arith.constant 0 : i32
      %scan3A_68 = arith.constant 0 : i32
      %scan3A_69 = arith.constant 16 : i32
      %scan3A_70 = arith.addi %scan3A_68, %scan3A_69 : i32
      %scan3A_71 = arith.constant 1 : i32
      scf.for %scan3A_78 = %scan3A_68 to %scan3A_70 step %scan3A_71  : i32 {
        %mul3A_79 = arith.constant 16 : i32
        %mul3A_80 = arith.muli %scan3A_78, %mul3A_79 : i32
        %add3A_81 = arith.constant 0 : i32
        %add3A_82 = arith.addi %mul3A_80, %add3A_81 : i32
        %get3A = arith.index_cast %add3A_82 : i32 to index
        %get3A_83 = arith.constant 0 : index
        %get3A_84 = tpu.vector_load %arg5[%get3A, %get3A_83] {strides = array<i32>} : memref<256x128xf32, #tpu.memory_space<vmem>>, vector<1x16xf32>,
        %get3A_85 = vector.shape_cast %get3A_84 : vector<1x16xf32> to vector<16xf32>
        %add3A_86 = arith.constant 1 : i32
        %add3A_87 = arith.addi %mul3A_80, %add3A_86 : i32
        %get3A_88 = arith.index_cast %add3A_87 : i32 to index
        %get3A_89 = arith.constant 0 : index
        %get3A_90 = tpu.vector_load %arg5[%get3A_88, %get3A_89] {strides = array<i32>} : memref<256x128xf32, #tpu.memory_space<vmem>>, vector<1x16xf32>,
        %get3A_91 = vector.shape_cast %get3A_90 : vector<1x16xf32> to vector<16xf32>
        %add3A_92 = arith.constant 2 : i32
        %add3A_93 = arith.addi %mul3A_80, %add3A_92 : i32
        %get3A_94 = arith.index_cast %add3A_93 : i32 to index
        %get3A_95 = arith.constant 0 : index
        %get3A_96 = tpu.vector_load %arg5[%get3A_94, %get3A_95] {strides = array<i32>} : memref<256x128xf32, #tpu.memory_space<vmem>>, vector<1x16xf32>,
        %get3A_97 = vector.shape_cast %get3A_96 : vector<1x16xf32> to vector<16xf32>
        %add3A_98 = arith.constant 3 : i32
        %add3A_99 = arith.addi %mul3A_80, %add3A_98 : i32
        %get3A_100 = arith.index_cast %add3A_99 : i32 to index
        %get3A_101 = arith.constant 0 : index
        %get3A_102 = tpu.vector_load %arg5[%get3A_100, %get3A_101] {strides = array<i32>} : memref<256x128xf32, #tpu.memory_space<vmem>>, vector<1x16xf32>,
        %get3A_103 = vector.shape_cast %get3A_102 : vector<1x16xf32> to vector<16xf32>
        %add3A_104 = arith.constant 4 : i32
        %add3A_105 = arith.addi %mul3A_80, %add3A_104 : i32
        %get3A_106 = arith.index_cast %add3A_105 : i32 to index
        %get3A_107 = arith.constant 0 : index
        %get3A_108 = tpu.vector_load %arg5[%get3A_106, %get3A_107] {strides = array<i32>} : memref<256x128xf32, #tpu.memory_space<vmem>>, vector<1x16xf32>,
        %get3A_109 = vector.shape_cast %get3A_108 : vector<1x16xf32> to vector<16xf32>
        %add3A_110 = arith.constant 5 : i32
        %add3A_111 = arith.addi %mul3A_80, %add3A_110 : i32
        %get3A_112 = arith.index_cast %add3A_111 : i32 to index
        %get3A_113 = arith.constant 0 : index
        %get3A_114 = tpu.vector_load %arg5[%get3A_112, %get3A_113] {strides = array<i32>} : memref<256x128xf32, #tpu.memory_space<vmem>>, vector<1x16xf32>,
        %get3A_115 = vector.shape_cast %get3A_114 : vector<1x16xf32> to vector<16xf32>
        %add3A_116 = arith.constant 6 : i32
        %add3A_117 = arith.addi %mul3A_80, %add3A_116 : i32
        %get3A_118 = arith.index_cast %add3A_117 : i32 to index
        %get3A_119 = arith.constant 0 : index
        %get3A_120 = tpu.vector_load %arg5[%get3A_118, %get3A_119] {strides = array<i32>} : memref<256x128xf32, #tpu.memory_space<vmem>>, vector<1x16xf32>,
        %get3A_121 = vector.shape_cast %get3A_120 : vector<1x16xf32> to vector<16xf32>
        %add3A_122 = arith.constant 7 : i32
        %add3A_123 = arith.addi %mul3A_80, %add3A_122 : i32
        %get3A_124 = arith.index_cast %add3A_123 : i32 to index
        %get3A_125 = arith.constant 0 : index
        %get3A_126 = tpu.vector_load %arg5[%get3A_124, %get3A_125] {strides = array<i32>} : memref<256x128xf32, #tpu.memory_space<vmem>>, vector<1x16xf32>,
        %get3A_127 = vector.shape_cast %get3A_126 : vector<1x16xf32> to vector<16xf32>
        %add3A_128 = arith.constant 8 : i32
        %add3A_129 = arith.addi %mul3A_80, %add3A_128 : i32
        %get3A_130 = arith.index_cast %add3A_129 : i32 to index
        %get3A_131 = arith.constant 0 : index
        %get3A_132 = tpu.vector_load %arg5[%get3A_130, %get3A_131] {strides = array<i32>} : memref<256x128xf32, #tpu.memory_space<vmem>>, vector<1x16xf32>,
        %get3A_133 = vector.shape_cast %get3A_132 : vector<1x16xf32> to vector<16xf32>
        %add3A_134 = arith.constant 9 : i32
        %add3A_135 = arith.addi %mul3A_80, %add3A_134 : i32
        %get3A_136 = arith.index_cast %add3A_135 : i32 to index
        %get3A_137 = arith.constant 0 : index
        %get3A_138 = tpu.vector_load %arg5[%get3A_136, %get3A_137] {strides = array<i32>} : memref<256x128xf32, #tpu.memory_space<vmem>>, vector<1x16xf32>,
        %get3A_139 = vector.shape_cast %get3A_138 : vector<1x16xf32> to vector<16xf32>
        %add3A_140 = arith.constant 10 : i32
        %add3A_141 = arith.addi %mul3A_80, %add3A_140 : i32
        %get3A_142 = arith.index_cast %add3A_141 : i32 to index
        %get3A_143 = arith.constant 0 : index
        %get3A_144 = tpu.vector_load %arg5[%get3A_142, %get3A_143] {strides = array<i32>} : memref<256x128xf32, #tpu.memory_space<vmem>>, vector<1x16xf32>,
        %get3A_145 = vector.shape_cast %get3A_144 : vector<1x16xf32> to vector<16xf32>
        %add3A_146 = arith.constant 11 : i32
        %add3A_147 = arith.addi %mul3A_80, %add3A_146 : i32
        %get3A_148 = arith.index_cast %add3A_147 : i32 to index
        %get3A_149 = arith.constant 0 : index
        %get3A_150 = tpu.vector_load %arg5[%get3A_148, %get3A_149] {strides = array<i32>} : memref<256x128xf32, #tpu.memory_space<vmem>>, vector<1x16xf32>,
        %get3A_151 = vector.shape_cast %get3A_150 : vector<1x16xf32> to vector<16xf32>
        %add3A_152 = arith.constant 12 : i32
        %add3A_153 = arith.addi %mul3A_80, %add3A_152 : i32
        %get3A_154 = arith.index_cast %add3A_153 : i32 to index
        %get3A_155 = arith.constant 0 : index
        %get3A_156 = tpu.vector_load %arg5[%get3A_154, %get3A_155] {strides = array<i32>} : memref<256x128xf32, #tpu.memory_space<vmem>>, vector<1x16xf32>,
        %get3A_157 = vector.shape_cast %get3A_156 : vector<1x16xf32> to vector<16xf32>
        %add3A_158 = arith.constant 13 : i32
        %add3A_159 = arith.addi %mul3A_80, %add3A_158 : i32
        %get3A_160 = arith.index_cast %add3A_159 : i32 to index
        %get3A_161 = arith.constant 0 : index
        %get3A_162 = tpu.vector_load %arg5[%get3A_160, %get3A_161] {strides = array<i32>} : memref<256x128xf32, #tpu.memory_space<vmem>>, vector<1x16xf32>,
        %get3A_163 = vector.shape_cast %get3A_162 : vector<1x16xf32> to vector<16xf32>
        %add3A_164 = arith.constant 14 : i32
        %add3A_165 = arith.addi %mul3A_80, %add3A_164 : i32
        %get3A_166 = arith.index_cast %add3A_165 : i32 to index
        %get3A_167 = arith.constant 0 : index
        %get3A_168 = tpu.vector_load %arg5[%get3A_166, %get3A_167] {strides = array<i32>} : memref<256x128xf32, #tpu.memory_space<vmem>>, vector<1x16xf32>,
        %get3A_169 = vector.shape_cast %get3A_168 : vector<1x16xf32> to vector<16xf32>
        %add3A_170 = arith.constant 15 : i32
        %add3A_171 = arith.addi %mul3A_80, %add3A_170 : i32
        %get3A_172 = arith.index_cast %add3A_171 : i32 to index
        %get3A_173 = arith.constant 0 : index
        %get3A_174 = tpu.vector_load %arg5[%get3A_172, %get3A_173] {strides = array<i32>} : memref<256x128xf32, #tpu.memory_space<vmem>>, vector<1x16xf32>,
        %get3A_175 = vector.shape_cast %get3A_174 : vector<1x16xf32> to vector<16xf32>
        %add3A_176 = arith.addf %get3A_85, %get3A_91 : vector<16xf32>
        %add3A_177 = arith.addf %get3A_97, %get3A_103 : vector<16xf32>
        %add3A_178 = arith.addf %get3A_109, %get3A_115 : vector<16xf32>
        %add3A_179 = arith.addf %get3A_121, %get3A_127 : vector<16xf32>
        %add3A_180 = arith.addf %get3A_133, %get3A_139 : vector<16xf32>
        %add3A_181 = arith.addf %get3A_145, %get3A_151 : vector<16xf32>
        %add3A_182 = arith.addf %get3A_157, %get3A_163 : vector<16xf32>
        %add3A_183 = arith.addf %get3A_169, %get3A_175 : vector<16xf32>
        %add3A_184 = arith.addf %add3A_176, %add3A_177 : vector<16xf32>
        %add3A_185 = arith.addf %add3A_178, %add3A_179 : vector<16xf32>
        %add3A_186 = arith.addf %add3A_180, %add3A_181 : vector<16xf32>
        %add3A_187 = arith.addf %add3A_182, %add3A_183 : vector<16xf32>
        %add3A_188 = arith.addf %add3A_184, %add3A_185 : vector<16xf32>
        %add3A_189 = arith.addf %add3A_186, %add3A_187 : vector<16xf32>
        %add3A_190 = arith.addf %add3A_188, %add3A_189 : vector<16xf32>
        %swap3A = arith.index_cast %scan3A_78 : i32 to index
        %swap3A_191 = arith.constant 0 : index
        %swap3A_192 = tpu.vector_load %arg6[%swap3A, %swap3A_191] {strides = array<i32>} : memref<16x128xf32, #tpu.memory_space<vmem>>, vector<1x16xf32>,
        %swap3A_193 = vector.shape_cast %swap3A_192 : vector<1x16xf32> to vector<16xf32>
        %swap3A_194 = vector.shape_cast %add3A_190 : vector<16xf32> to vector<1x16xf32>
        tpu.vector_store %arg6[%swap3A, %swap3A_191], %swap3A_194 {strides = array<i32>} : memref<16x128xf32, #tpu.memory_space<vmem>>, vector<1x16xf32>,
        %add3A_195 = arith.constant 0 : i32
        %add3A_196 = arith.addi %mul3A_80, %add3A_195 : i32
        %get3A_197 = arith.index_cast %add3A_196 : i32 to index
        %get3A_198 = arith.constant 16 : index
        %get3A_199 = tpu.vector_load %arg5[%get3A_197, %get3A_198] {strides = array<i32>} : memref<256x128xf32, #tpu.memory_space<vmem>>, vector<1x16xf32>,
        %get3A_200 = vector.shape_cast %get3A_199 : vector<1x16xf32> to vector<16xf32>
        %add3A_201 = arith.constant 1 : i32
        %add3A_202 = arith.addi %mul3A_80, %add3A_201 : i32
        %get3A_203 = arith.index_cast %add3A_202 : i32 to index
        %get3A_204 = arith.constant 16 : index
        %get3A_205 = tpu.vector_load %arg5[%get3A_203, %get3A_204] {strides = array<i32>} : memref<256x128xf32, #tpu.memory_space<vmem>>, vector<1x16xf32>,
        %get3A_206 = vector.shape_cast %get3A_205 : vector<1x16xf32> to vector<16xf32>
        %add3A_207 = arith.constant 2 : i32
        %add3A_208 = arith.addi %mul3A_80, %add3A_207 : i32
        %get3A_209 = arith.index_cast %add3A_208 : i32 to index
        %get3A_210 = arith.constant 16 : index
        %get3A_211 = tpu.vector_load %arg5[%get3A_209, %get3A_210] {strides = array<i32>} : memref<256x128xf32, #tpu.memory_space<vmem>>, vector<1x16xf32>,
        %get3A_212 = vector.shape_cast %get3A_211 : vector<1x16xf32> to vector<16xf32>
        %add3A_213 = arith.constant 3 : i32
        %add3A_214 = arith.addi %mul3A_80, %add3A_213 : i32
        %get3A_215 = arith.index_cast %add3A_214 : i32 to index
        %get3A_216 = arith.constant 16 : index
        %get3A_217 = tpu.vector_load %arg5[%get3A_215, %get3A_216] {strides = array<i32>} : memref<256x128xf32, #tpu.memory_space<vmem>>, vector<1x16xf32>,
        %get3A_218 = vector.shape_cast %get3A_217 : vector<1x16xf32> to vector<16xf32>
        %add3A_219 = arith.constant 4 : i32
        %add3A_220 = arith.addi %mul3A_80, %add3A_219 : i32
        %get3A_221 = arith.index_cast %add3A_220 : i32 to index
        %get3A_222 = arith.constant 16 : index
        %get3A_223 = tpu.vector_load %arg5[%get3A_221, %get3A_222] {strides = array<i32>} : memref<256x128xf32, #tpu.memory_space<vmem>>, vector<1x16xf32>,
        %get3A_224 = vector.shape_cast %get3A_223 : vector<1x16xf32> to vector<16xf32>
        %add3A_225 = arith.constant 5 : i32
        %add3A_226 = arith.addi %mul3A_80, %add3A_225 : i32
        %get3A_227 = arith.index_cast %add3A_226 : i32 to index
        %get3A_228 = arith.constant 16 : index
        %get3A_229 = tpu.vector_load %arg5[%get3A_227, %get3A_228] {strides = array<i32>} : memref<256x128xf32, #tpu.memory_space<vmem>>, vector<1x16xf32>,
        %get3A_230 = vector.shape_cast %get3A_229 : vector<1x16xf32> to vector<16xf32>
        %add3A_231 = arith.constant 6 : i32
        %add3A_232 = arith.addi %mul3A_80, %add3A_231 : i32
        %get3A_233 = arith.index_cast %add3A_232 : i32 to index
        %get3A_234 = arith.constant 16 : index
        %get3A_235 = tpu.vector_load %arg5[%get3A_233, %get3A_234] {strides = array<i32>} : memref<256x128xf32, #tpu.memory_space<vmem>>, vector<1x16xf32>,
        %get3A_236 = vector.shape_cast %get3A_235 : vector<1x16xf32> to vector<16xf32>
        %add3A_237 = arith.constant 7 : i32
        %add3A_238 = arith.addi %mul3A_80, %add3A_237 : i32
        %get3A_239 = arith.index_cast %add3A_238 : i32 to index
        %get3A_240 = arith.constant 16 : index
        %get3A_241 = tpu.vector_load %arg5[%get3A_239, %get3A_240] {strides = array<i32>} : memref<256x128xf32, #tpu.memory_space<vmem>>, vector<1x16xf32>,
        %get3A_242 = vector.shape_cast %get3A_241 : vector<1x16xf32> to vector<16xf32>
        %add3A_243 = arith.constant 8 : i32
        %add3A_244 = arith.addi %mul3A_80, %add3A_243 : i32
        %get3A_245 = arith.index_cast %add3A_244 : i32 to index
        %get3A_246 = arith.constant 16 : index
        %get3A_247 = tpu.vector_load %arg5[%get3A_245, %get3A_246] {strides = array<i32>} : memref<256x128xf32, #tpu.memory_space<vmem>>, vector<1x16xf32>,
        %get3A_248 = vector.shape_cast %get3A_247 : vector<1x16xf32> to vector<16xf32>
        %add3A_249 = arith.constant 9 : i32
        %add3A_250 = arith.addi %mul3A_80, %add3A_249 : i32
        %get3A_251 = arith.index_cast %add3A_250 : i32 to index
        %get3A_252 = arith.constant 16 : index
        %get3A_253 = tpu.vector_load %arg5[%get3A_251, %get3A_252] {strides = array<i32>} : memref<256x128xf32, #tpu.memory_space<vmem>>, vector<1x16xf32>,
        %get3A_254 = vector.shape_cast %get3A_253 : vector<1x16xf32> to vector<16xf32>
        %add3A_255 = arith.constant 10 : i32
        %add3A_256 = arith.addi %mul3A_80, %add3A_255 : i32
        %get3A_257 = arith.index_cast %add3A_256 : i32 to index
        %get3A_258 = arith.constant 16 : index
        %get3A_259 = tpu.vector_load %arg5[%get3A_257, %get3A_258] {strides = array<i32>} : memref<256x128xf32, #tpu.memory_space<vmem>>, vector<1x16xf32>,
        %get3A_260 = vector.shape_cast %get3A_259 : vector<1x16xf32> to vector<16xf32>
        %add3A_261 = arith.constant 11 : i32
        %add3A_262 = arith.addi %mul3A_80, %add3A_261 : i32
        %get3A_263 = arith.index_cast %add3A_262 : i32 to index
        %get3A_264 = arith.constant 16 : index
        %get3A_265 = tpu.vector_load %arg5[%get3A_263, %get3A_264] {strides = array<i32>} : memref<256x128xf32, #tpu.memory_space<vmem>>, vector<1x16xf32>,
        %get3A_266 = vector.shape_cast %get3A_265 : vector<1x16xf32> to vector<16xf32>
        %add3A_267 = arith.constant 12 : i32
        %add3A_268 = arith.addi %mul3A_80, %add3A_267 : i32
        %get3A_269 = arith.index_cast %add3A_268 : i32 to index
        %get3A_270 = arith.constant 16 : index
        %get3A_271 = tpu.vector_load %arg5[%get3A_269, %get3A_270] {strides = array<i32>} : memref<256x128xf32, #tpu.memory_space<vmem>>, vector<1x16xf32>,
        %get3A_272 = vector.shape_cast %get3A_271 : vector<1x16xf32> to vector<16xf32>
        %add3A_273 = arith.constant 13 : i32
        %add3A_274 = arith.addi %mul3A_80, %add3A_273 : i32
        %get3A_275 = arith.index_cast %add3A_274 : i32 to index
        %get3A_276 = arith.constant 16 : index
        %get3A_277 = tpu.vector_load %arg5[%get3A_275, %get3A_276] {strides = array<i32>} : memref<256x128xf32, #tpu.memory_space<vmem>>, vector<1x16xf32>,
        %get3A_278 = vector.shape_cast %get3A_277 : vector<1x16xf32> to vector<16xf32>
        %add3A_279 = arith.constant 14 : i32
        %add3A_280 = arith.addi %mul3A_80, %add3A_279 : i32
        %get3A_281 = arith.index_cast %add3A_280 : i32 to index
        %get3A_282 = arith.constant 16 : index
        %get3A_283 = tpu.vector_load %arg5[%get3A_281, %get3A_282] {strides = array<i32>} : memref<256x128xf32, #tpu.memory_space<vmem>>, vector<1x16xf32>,
        %get3A_284 = vector.shape_cast %get3A_283 : vector<1x16xf32> to vector<16xf32>
        %add3A_285 = arith.constant 15 : i32
        %add3A_286 = arith.addi %mul3A_80, %add3A_285 : i32
        %get3A_287 = arith.index_cast %add3A_286 : i32 to index
        %get3A_288 = arith.constant 16 : index
        %get3A_289 = tpu.vector_load %arg5[%get3A_287, %get3A_288] {strides = array<i32>} : memref<256x128xf32, #tpu.memory_space<vmem>>, vector<1x16xf32>,
        %get3A_290 = vector.shape_cast %get3A_289 : vector<1x16xf32> to vector<16xf32>
        %add3A_291 = arith.addf %get3A_200, %get3A_206 : vector<16xf32>
        %add3A_292 = arith.addf %get3A_212, %get3A_218 : vector<16xf32>
        %add3A_293 = arith.addf %get3A_224, %get3A_230 : vector<16xf32>
        %add3A_294 = arith.addf %get3A_236, %get3A_242 : vector<16xf32>
        %add3A_295 = arith.addf %get3A_248, %get3A_254 : vector<16xf32>
        %add3A_296 = arith.addf %get3A_260, %get3A_266 : vector<16xf32>
        %add3A_297 = arith.addf %get3A_272, %get3A_278 : vector<16xf32>
        %add3A_298 = arith.addf %get3A_284, %get3A_290 : vector<16xf32>
        %add3A_299 = arith.addf %add3A_291, %add3A_292 : vector<16xf32>
        %add3A_300 = arith.addf %add3A_293, %add3A_294 : vector<16xf32>
        %add3A_301 = arith.addf %add3A_295, %add3A_296 : vector<16xf32>
        %add3A_302 = arith.addf %add3A_297, %add3A_298 : vector<16xf32>
        %add3A_303 = arith.addf %add3A_299, %add3A_300 : vector<16xf32>
        %add3A_304 = arith.addf %add3A_301, %add3A_302 : vector<16xf32>
        %add3A_305 = arith.addf %add3A_303, %add3A_304 : vector<16xf32>
        %swap3A_306 = arith.index_cast %scan3A_78 : i32 to index
        %swap3A_307 = arith.constant 16 : index
        %swap3A_308 = tpu.vector_load %arg6[%swap3A_306, %swap3A_307] {strides = array<i32>} : memref<16x128xf32, #tpu.memory_space<vmem>>, vector<1x16xf32>,
        %swap3A_309 = vector.shape_cast %swap3A_308 : vector<1x16xf32> to vector<16xf32>
        %swap3A_310 = vector.shape_cast %add3A_305 : vector<16xf32> to vector<1x16xf32>
        tpu.vector_store %arg6[%swap3A_306, %swap3A_307], %swap3A_310 {strides = array<i32>} : memref<16x128xf32, #tpu.memory_space<vmem>>, vector<1x16xf32>,
        %add3A_311 = arith.constant 0 : i32
        %add3A_312 = arith.addi %mul3A_80, %add3A_311 : i32
        %get3A_313 = arith.index_cast %add3A_312 : i32 to index
        %get3A_314 = arith.constant 32 : index
        %get3A_315 = tpu.vector_load %arg5[%get3A_313, %get3A_314] {strides = array<i32>} : memref<256x128xf32, #tpu.memory_space<vmem>>, vector<1x16xf32>,
        %get3A_316 = vector.shape_cast %get3A_315 : vector<1x16xf32> to vector<16xf32>
        %add3A_317 = arith.constant 1 : i32
        %add3A_318 = arith.addi %mul3A_80, %add3A_317 : i32
        %get3A_319 = arith.index_cast %add3A_318 : i32 to index
        %get3A_320 = arith.constant 32 : index
        %get3A_321 = tpu.vector_load %arg5[%get3A_319, %get3A_320] {strides = array<i32>} : memref<256x128xf32, #tpu.memory_space<vmem>>, vector<1x16xf32>,
        %get3A_322 = vector.shape_cast %get3A_321 : vector<1x16xf32> to vector<16xf32>
        %add3A_323 = arith.constant 2 : i32
        %add3A_324 = arith.addi %mul3A_80, %add3A_323 : i32
        %get3A_325 = arith.index_cast %add3A_324 : i32 to index
        %get3A_326 = arith.constant 32 : index
        %get3A_327 = tpu.vector_load %arg5[%get3A_325, %get3A_326] {strides = array<i32>} : memref<256x128xf32, #tpu.memory_space<vmem>>, vector<1x16xf32>,
        %get3A_328 = vector.shape_cast %get3A_327 : vector<1x16xf32> to vector<16xf32>
        %add3A_329 = arith.constant 3 : i32
        %add3A_330 = arith.addi %mul3A_80, %add3A_329 : i32
        %get3A_331 = arith.index_cast %add3A_330 : i32 to index
        %get3A_332 = arith.constant 32 : index
        %get3A_333 = tpu.vector_load %arg5[%get3A_331, %get3A_332] {strides = array<i32>} : memref<256x128xf32, #tpu.memory_space<vmem>>, vector<1x16xf32>,
        %get3A_334 = vector.shape_cast %get3A_333 : vector<1x16xf32> to vector<16xf32>
        %add3A_335 = arith.constant 4 : i32
        %add3A_336 = arith.addi %mul3A_80, %add3A_335 : i32
        %get3A_337 = arith.index_cast %add3A_336 : i32 to index
        %get3A_338 = arith.constant 32 : index
        %get3A_339 = tpu.vector_load %arg5[%get3A_337, %get3A_338] {strides = array<i32>} : memref<256x128xf32, #tpu.memory_space<vmem>>, vector<1x16xf32>,
        %get3A_340 = vector.shape_cast %get3A_339 : vector<1x16xf32> to vector<16xf32>
        %add3A_341 = arith.constant 5 : i32
        %add3A_342 = arith.addi %mul3A_80, %add3A_341 : i32
        %get3A_343 = arith.index_cast %add3A_342 : i32 to index
        %get3A_344 = arith.constant 32 : index
        %get3A_345 = tpu.vector_load %arg5[%get3A_343, %get3A_344] {strides = array<i32>} : memref<256x128xf32, #tpu.memory_space<vmem>>, vector<1x16xf32>,
        %get3A_346 = vector.shape_cast %get3A_345 : vector<1x16xf32> to vector<16xf32>
        %add3A_347 = arith.constant 6 : i32
        %add3A_348 = arith.addi %mul3A_80, %add3A_347 : i32
        %get3A_349 = arith.index_cast %add3A_348 : i32 to index
        %get3A_350 = arith.constant 32 : index
        %get3A_351 = tpu.vector_load %arg5[%get3A_349, %get3A_350] {strides = array<i32>} : memref<256x128xf32, #tpu.memory_space<vmem>>, vector<1x16xf32>,
        %get3A_352 = vector.shape_cast %get3A_351 : vector<1x16xf32> to vector<16xf32>
        %add3A_353 = arith.constant 7 : i32
        %add3A_354 = arith.addi %mul3A_80, %add3A_353 : i32
        %get3A_355 = arith.index_cast %add3A_354 : i32 to index
        %get3A_356 = arith.constant 32 : index
        %get3A_357 = tpu.vector_load %arg5[%get3A_355, %get3A_356] {strides = array<i32>} : memref<256x128xf32, #tpu.memory_space<vmem>>, vector<1x16xf32>,
        %get3A_358 = vector.shape_cast %get3A_357 : vector<1x16xf32> to vector<16xf32>
        %add3A_359 = arith.constant 8 : i32
        %add3A_360 = arith.addi %mul3A_80, %add3A_359 : i32
        %get3A_361 = arith.index_cast %add3A_360 : i32 to index
        %get3A_362 = arith.constant 32 : index
        %get3A_363 = tpu.vector_load %arg5[%get3A_361, %get3A_362] {strides = array<i32>} : memref<256x128xf32, #tpu.memory_space<vmem>>, vector<1x16xf32>,
        %get3A_364 = vector.shape_cast %get3A_363 : vector<1x16xf32> to vector<16xf32>
        %add3A_365 = arith.constant 9 : i32
        %add3A_366 = arith.addi %mul3A_80, %add3A_365 : i32
        %get3A_367 = arith.index_cast %add3A_366 : i32 to index
        %get3A_368 = arith.constant 32 : index
        %get3A_369 = tpu.vector_load %arg5[%get3A_367, %get3A_368] {strides = array<i32>} : memref<256x128xf32, #tpu.memory_space<vmem>>, vector<1x16xf32>,
        %get3A_370 = vector.shape_cast %get3A_369 : vector<1x16xf32> to vector<16xf32>
        %add3A_371 = arith.constant 10 : i32
        %add3A_372 = arith.addi %mul3A_80, %add3A_371 : i32
        %get3A_373 = arith.index_cast %add3A_372 : i32 to index
        %get3A_374 = arith.constant 32 : index
        %get3A_375 = tpu.vector_load %arg5[%get3A_373, %get3A_374] {strides = array<i32>} : memref<256x128xf32, #tpu.memory_space<vmem>>, vector<1x16xf32>,
        %get3A_376 = vector.shape_cast %get3A_375 : vector<1x16xf32> to vector<16xf32>
        %add3A_377 = arith.constant 11 : i32
        %add3A_378 = arith.addi %mul3A_80, %add3A_377 : i32
        %get3A_379 = arith.index_cast %add3A_378 : i32 to index
        %get3A_380 = arith.constant 32 : index
        %get3A_381 = tpu.vector_load %arg5[%get3A_379, %get3A_380] {strides = array<i32>} : memref<256x128xf32, #tpu.memory_space<vmem>>, vector<1x16xf32>,
        %get3A_382 = vector.shape_cast %get3A_381 : vector<1x16xf32> to vector<16xf32>
        %add3A_383 = arith.constant 12 : i32
        %add3A_384 = arith.addi %mul3A_80, %add3A_383 : i32
        %get3A_385 = arith.index_cast %add3A_384 : i32 to index
        %get3A_386 = arith.constant 32 : index
        %get3A_387 = tpu.vector_load %arg5[%get3A_385, %get3A_386] {strides = array<i32>} : memref<256x128xf32, #tpu.memory_space<vmem>>, vector<1x16xf32>,
        %get3A_388 = vector.shape_cast %get3A_387 : vector<1x16xf32> to vector<16xf32>
        %add3A_389 = arith.constant 13 : i32
        %add3A_390 = arith.addi %mul3A_80, %add3A_389 : i32
        %get3A_391 = arith.index_cast %add3A_390 : i32 to index
        %get3A_392 = arith.constant 32 : index
        %get3A_393 = tpu.vector_load %arg5[%get3A_391, %get3A_392] {strides = array<i32>} : memref<256x128xf32, #tpu.memory_space<vmem>>, vector<1x16xf32>,
        %get3A_394 = vector.shape_cast %get3A_393 : vector<1x16xf32> to vector<16xf32>
        %add3A_395 = arith.constant 14 : i32
        %add3A_396 = arith.addi %mul3A_80, %add3A_395 : i32
        %get3A_397 = arith.index_cast %add3A_396 : i32 to index
        %get3A_398 = arith.constant 32 : index
        %get3A_399 = tpu.vector_load %arg5[%get3A_397, %get3A_398] {strides = array<i32>} : memref<256x128xf32, #tpu.memory_space<vmem>>, vector<1x16xf32>,
        %get3A_400 = vector.shape_cast %get3A_399 : vector<1x16xf32> to vector<16xf32>
        %add3A_401 = arith.constant 15 : i32
        %add3A_402 = arith.addi %mul3A_80, %add3A_401 : i32
        %get3A_403 = arith.index_cast %add3A_402 : i32 to index
        %get3A_404 = arith.constant 32 : index
        %get3A_405 = tpu.vector_load %arg5[%get3A_403, %get3A_404] {strides = array<i32>} : memref<256x128xf32, #tpu.memory_space<vmem>>, vector<1x16xf32>,
        %get3A_406 = vector.shape_cast %get3A_405 : vector<1x16xf32> to vector<16xf32>
        %add3A_407 = arith.addf %get3A_316, %get3A_322 : vector<16xf32>
        %add3A_408 = arith.addf %get3A_328, %get3A_334 : vector<16xf32>
        %add3A_409 = arith.addf %get3A_340, %get3A_346 : vector<16xf32>
        %add3A_410 = arith.addf %get3A_352, %get3A_358 : vector<16xf32>
        %add3A_411 = arith.addf %get3A_364, %get3A_370 : vector<16xf32>
        %add3A_412 = arith.addf %get3A_376, %get3A_382 : vector<16xf32>
        %add3A_413 = arith.addf %get3A_388, %get3A_394 : vector<16xf32>
        %add3A_414 = arith.addf %get3A_400, %get3A_406 : vector<16xf32>
        %add3A_415 = arith.addf %add3A_407, %add3A_408 : vector<16xf32>
        %add3A_416 = arith.addf %add3A_409, %add3A_410 : vector<16xf32>
        %add3A_417 = arith.addf %add3A_411, %add3A_412 : vector<16xf32>
        %add3A_418 = arith.addf %add3A_413, %add3A_414 : vector<16xf32>
        %add3A_419 = arith.addf %add3A_415, %add3A_416 : vector<16xf32>
        %add3A_420 = arith.addf %add3A_417, %add3A_418 : vector<16xf32>
        %add3A_421 = arith.addf %add3A_419, %add3A_420 : vector<16xf32>
        %swap3A_422 = arith.index_cast %scan3A_78 : i32 to index
        %swap3A_423 = arith.constant 32 : index
        %swap3A_424 = tpu.vector_load %arg6[%swap3A_422, %swap3A_423] {strides = array<i32>} : memref<16x128xf32, #tpu.memory_space<vmem>>, vector<1x16xf32>,
        %swap3A_425 = vector.shape_cast %swap3A_424 : vector<1x16xf32> to vector<16xf32>
        %swap3A_426 = vector.shape_cast %add3A_421 : vector<16xf32> to vector<1x16xf32>
        tpu.vector_store %arg6[%swap3A_422, %swap3A_423], %swap3A_426 {strides = array<i32>} : memref<16x128xf32, #tpu.memory_space<vmem>>, vector<1x16xf32>,
        %add3A_427 = arith.constant 0 : i32
        %add3A_428 = arith.addi %mul3A_80, %add3A_427 : i32
        %get3A_429 = arith.index_cast %add3A_428 : i32 to index
        %get3A_430 = arith.constant 48 : index
        %get3A_431 = tpu.vector_load %arg5[%get3A_429, %get3A_430] {strides = array<i32>} : memref<256x128xf32, #tpu.memory_space<vmem>>, vector<1x16xf32>,
        %get3A_432 = vector.shape_cast %get3A_431 : vector<1x16xf32> to vector<16xf32>
        %add3A_433 = arith.constant 1 : i32
        %add3A_434 = arith.addi %mul3A_80, %add3A_433 : i32
        %get3A_435 = arith.index_cast %add3A_434 : i32 to index
        %get3A_436 = arith.constant 48 : index
        %get3A_437 = tpu.vector_load %arg5[%get3A_435, %get3A_436] {strides = array<i32>} : memref<256x128xf32, #tpu.memory_space<vmem>>, vector<1x16xf32>,
        %get3A_438 = vector.shape_cast %get3A_437 : vector<1x16xf32> to vector<16xf32>
        %add3A_439 = arith.constant 2 : i32
        %add3A_440 = arith.addi %mul3A_80, %add3A_439 : i32
        %get3A_441 = arith.index_cast %add3A_440 : i32 to index
        %get3A_442 = arith.constant 48 : index
        %get3A_443 = tpu.vector_load %arg5[%get3A_441, %get3A_442] {strides = array<i32>} : memref<256x128xf32, #tpu.memory_space<vmem>>, vector<1x16xf32>,
        %get3A_444 = vector.shape_cast %get3A_443 : vector<1x16xf32> to vector<16xf32>
        %add3A_445 = arith.constant 3 : i32
        %add3A_446 = arith.addi %mul3A_80, %add3A_445 : i32
        %get3A_447 = arith.index_cast %add3A_446 : i32 to index
        %get3A_448 = arith.constant 48 : index
        %get3A_449 = tpu.vector_load %arg5[%get3A_447, %get3A_448] {strides = array<i32>} : memref<256x128xf32, #tpu.memory_space<vmem>>, vector<1x16xf32>,
        %get3A_450 = vector.shape_cast %get3A_449 : vector<1x16xf32> to vector<16xf32>
        %add3A_451 = arith.constant 4 : i32
        %add3A_452 = arith.addi %mul3A_80, %add3A_451 : i32
        %get3A_453 = arith.index_cast %add3A_452 : i32 to index
        %get3A_454 = arith.constant 48 : index
        %get3A_455 = tpu.vector_load %arg5[%get3A_453, %get3A_454] {strides = array<i32>} : memref<256x128xf32, #tpu.memory_space<vmem>>, vector<1x16xf32>,
        %get3A_456 = vector.shape_cast %get3A_455 : vector<1x16xf32> to vector<16xf32>
        %add3A_457 = arith.constant 5 : i32
        %add3A_458 = arith.addi %mul3A_80, %add3A_457 : i32
        %get3A_459 = arith.index_cast %add3A_458 : i32 to index
        %get3A_460 = arith.constant 48 : index
        %get3A_461 = tpu.vector_load %arg5[%get3A_459, %get3A_460] {strides = array<i32>} : memref<256x128xf32, #tpu.memory_space<vmem>>, vector<1x16xf32>,
        %get3A_462 = vector.shape_cast %get3A_461 : vector<1x16xf32> to vector<16xf32>
        %add3A_463 = arith.constant 6 : i32
        %add3A_464 = arith.addi %mul3A_80, %add3A_463 : i32
        %get3A_465 = arith.index_cast %add3A_464 : i32 to index
        %get3A_466 = arith.constant 48 : index
        %get3A_467 = tpu.vector_load %arg5[%get3A_465, %get3A_466] {strides = array<i32>} : memref<256x128xf32, #tpu.memory_space<vmem>>, vector<1x16xf32>,
        %get3A_468 = vector.shape_cast %get3A_467 : vector<1x16xf32> to vector<16xf32>
        %add3A_469 = arith.constant 7 : i32
        %add3A_470 = arith.addi %mul3A_80, %add3A_469 : i32
        %get3A_471 = arith.index_cast %add3A_470 : i32 to index
        %get3A_472 = arith.constant 48 : index
        %get3A_473 = tpu.vector_load %arg5[%get3A_471, %get3A_472] {strides = array<i32>} : memref<256x128xf32, #tpu.memory_space<vmem>>, vector<1x16xf32>,
        %get3A_474 = vector.shape_cast %get3A_473 : vector<1x16xf32> to vector<16xf32>
        %add3A_475 = arith.constant 8 : i32
        %add3A_476 = arith.addi %mul3A_80, %add3A_475 : i32
        %get3A_477 = arith.index_cast %add3A_476 : i32 to index
        %get3A_478 = arith.constant 48 : index
        %get3A_479 = tpu.vector_load %arg5[%get3A_477, %get3A_478] {strides = array<i32>} : memref<256x128xf32, #tpu.memory_space<vmem>>, vector<1x16xf32>,
        %get3A_480 = vector.shape_cast %get3A_479 : vector<1x16xf32> to vector<16xf32>
        %add3A_481 = arith.constant 9 : i32
        %add3A_482 = arith.addi %mul3A_80, %add3A_481 : i32
        %get3A_483 = arith.index_cast %add3A_482 : i32 to index
        %get3A_484 = arith.constant 48 : index
        %get3A_485 = tpu.vector_load %arg5[%get3A_483, %get3A_484] {strides = array<i32>} : memref<256x128xf32, #tpu.memory_space<vmem>>, vector<1x16xf32>,
        %get3A_486 = vector.shape_cast %get3A_485 : vector<1x16xf32> to vector<16xf32>
        %add3A_487 = arith.constant 10 : i32
        %add3A_488 = arith.addi %mul3A_80, %add3A_487 : i32
        %get3A_489 = arith.index_cast %add3A_488 : i32 to index
        %get3A_490 = arith.constant 48 : index
        %get3A_491 = tpu.vector_load %arg5[%get3A_489, %get3A_490] {strides = array<i32>} : memref<256x128xf32, #tpu.memory_space<vmem>>, vector<1x16xf32>,
        %get3A_492 = vector.shape_cast %get3A_491 : vector<1x16xf32> to vector<16xf32>
        %add3A_493 = arith.constant 11 : i32
        %add3A_494 = arith.addi %mul3A_80, %add3A_493 : i32
        %get3A_495 = arith.index_cast %add3A_494 : i32 to index
        %get3A_496 = arith.constant 48 : index
        %get3A_497 = tpu.vector_load %arg5[%get3A_495, %get3A_496] {strides = array<i32>} : memref<256x128xf32, #tpu.memory_space<vmem>>, vector<1x16xf32>,
        %get3A_498 = vector.shape_cast %get3A_497 : vector<1x16xf32> to vector<16xf32>
        %add3A_499 = arith.constant 12 : i32
        %add3A_500 = arith.addi %mul3A_80, %add3A_499 : i32
        %get3A_501 = arith.index_cast %add3A_500 : i32 to index
        %get3A_502 = arith.constant 48 : index
        %get3A_503 = tpu.vector_load %arg5[%get3A_501, %get3A_502] {strides = array<i32>} : memref<256x128xf32, #tpu.memory_space<vmem>>, vector<1x16xf32>,
        %get3A_504 = vector.shape_cast %get3A_503 : vector<1x16xf32> to vector<16xf32>
        %add3A_505 = arith.constant 13 : i32
        %add3A_506 = arith.addi %mul3A_80, %add3A_505 : i32
        %get3A_507 = arith.index_cast %add3A_506 : i32 to index
        %get3A_508 = arith.constant 48 : index
        %get3A_509 = tpu.vector_load %arg5[%get3A_507, %get3A_508] {strides = array<i32>} : memref<256x128xf32, #tpu.memory_space<vmem>>, vector<1x16xf32>,
        %get3A_510 = vector.shape_cast %get3A_509 : vector<1x16xf32> to vector<16xf32>
        %add3A_511 = arith.constant 14 : i32
        %add3A_512 = arith.addi %mul3A_80, %add3A_511 : i32
        %get3A_513 = arith.index_cast %add3A_512 : i32 to index
        %get3A_514 = arith.constant 48 : index
        %get3A_515 = tpu.vector_load %arg5[%get3A_513, %get3A_514] {strides = array<i32>} : memref<256x128xf32, #tpu.memory_space<vmem>>, vector<1x16xf32>,
        %get3A_516 = vector.shape_cast %get3A_515 : vector<1x16xf32> to vector<16xf32>
        %add3A_517 = arith.constant 15 : i32
        %add3A_518 = arith.addi %mul3A_80, %add3A_517 : i32
        %get3A_519 = arith.index_cast %add3A_518 : i32 to index
        %get3A_520 = arith.constant 48 : index
        %get3A_521 = tpu.vector_load %arg5[%get3A_519, %get3A_520] {strides = array<i32>} : memref<256x128xf32, #tpu.memory_space<vmem>>, vector<1x16xf32>,
        %get3A_522 = vector.shape_cast %get3A_521 : vector<1x16xf32> to vector<16xf32>
        %add3A_523 = arith.addf %get3A_432, %get3A_438 : vector<16xf32>
        %add3A_524 = arith.addf %get3A_444, %get3A_450 : vector<16xf32>
        %add3A_525 = arith.addf %get3A_456, %get3A_462 : vector<16xf32>
        %add3A_526 = arith.addf %get3A_468, %get3A_474 : vector<16xf32>
        %add3A_527 = arith.addf %get3A_480, %get3A_486 : vector<16xf32>
        %add3A_528 = arith.addf %get3A_492, %get3A_498 : vector<16xf32>
        %add3A_529 = arith.addf %get3A_504, %get3A_510 : vector<16xf32>
        %add3A_530 = arith.addf %get3A_516, %get3A_522 : vector<16xf32>
        %add3A_531 = arith.addf %add3A_523, %add3A_524 : vector<16xf32>
        %add3A_532 = arith.addf %add3A_525, %add3A_526 : vector<16xf32>
        %add3A_533 = arith.addf %add3A_527, %add3A_528 : vector<16xf32>
        %add3A_534 = arith.addf %add3A_529, %add3A_530 : vector<16xf32>
        %add3A_535 = arith.addf %add3A_531, %add3A_532 : vector<16xf32>
        %add3A_536 = arith.addf %add3A_533, %add3A_534 : vector<16xf32>
        %add3A_537 = arith.addf %add3A_535, %add3A_536 : vector<16xf32>
        %swap3A_538 = arith.index_cast %scan3A_78 : i32 to index
        %swap3A_539 = arith.constant 48 : index
        %swap3A_540 = tpu.vector_load %arg6[%swap3A_538, %swap3A_539] {strides = array<i32>} : memref<16x128xf32, #tpu.memory_space<vmem>>, vector<1x16xf32>,
        %swap3A_541 = vector.shape_cast %swap3A_540 : vector<1x16xf32> to vector<16xf32>
        %swap3A_542 = vector.shape_cast %add3A_537 : vector<16xf32> to vector<1x16xf32>
        tpu.vector_store %arg6[%swap3A_538, %swap3A_539], %swap3A_542 {strides = array<i32>} : memref<16x128xf32, #tpu.memory_space<vmem>>, vector<1x16xf32>,
        %add3A_543 = arith.constant 0 : i32
        %add3A_544 = arith.addi %mul3A_80, %add3A_543 : i32
        %get3A_545 = arith.index_cast %add3A_544 : i32 to index
        %get3A_546 = arith.constant 64 : index
        %get3A_547 = tpu.vector_load %arg5[%get3A_545, %get3A_546] {strides = array<i32>} : memref<256x128xf32, #tpu.memory_space<vmem>>, vector<1x16xf32>,
        %get3A_548 = vector.shape_cast %get3A_547 : vector<1x16xf32> to vector<16xf32>
        %add3A_549 = arith.constant 1 : i32
        %add3A_550 = arith.addi %mul3A_80, %add3A_549 : i32
        %get3A_551 = arith.index_cast %add3A_550 : i32 to index
        %get3A_552 = arith.constant 64 : index
        %get3A_553 = tpu.vector_load %arg5[%get3A_551, %get3A_552] {strides = array<i32>} : memref<256x128xf32, #tpu.memory_space<vmem>>, vector<1x16xf32>,
        %get3A_554 = vector.shape_cast %get3A_553 : vector<1x16xf32> to vector<16xf32>
        %add3A_555 = arith.constant 2 : i32
        %add3A_556 = arith.addi %mul3A_80, %add3A_555 : i32
        %get3A_557 = arith.index_cast %add3A_556 : i32 to index
        %get3A_558 = arith.constant 64 : index
        %get3A_559 = tpu.vector_load %arg5[%get3A_557, %get3A_558] {strides = array<i32>} : memref<256x128xf32, #tpu.memory_space<vmem>>, vector<1x16xf32>,
        %get3A_560 = vector.shape_cast %get3A_559 : vector<1x16xf32> to vector<16xf32>
        %add3A_561 = arith.constant 3 : i32
        %add3A_562 = arith.addi %mul3A_80, %add3A_561 : i32
        %get3A_563 = arith.index_cast %add3A_562 : i32 to index
        %get3A_564 = arith.constant 64 : index
        %get3A_565 = tpu.vector_load %arg5[%get3A_563, %get3A_564] {strides = array<i32>} : memref<256x128xf32, #tpu.memory_space<vmem>>, vector<1x16xf32>,
        %get3A_566 = vector.shape_cast %get3A_565 : vector<1x16xf32> to vector<16xf32>
        %add3A_567 = arith.constant 4 : i32
        %add3A_568 = arith.addi %mul3A_80, %add3A_567 : i32
        %get3A_569 = arith.index_cast %add3A_568 : i32 to index
        %get3A_570 = arith.constant 64 : index
        %get3A_571 = tpu.vector_load %arg5[%get3A_569, %get3A_570] {strides = array<i32>} : memref<256x128xf32, #tpu.memory_space<vmem>>, vector<1x16xf32>,
        %get3A_572 = vector.shape_cast %get3A_571 : vector<1x16xf32> to vector<16xf32>
        %add3A_573 = arith.constant 5 : i32
        %add3A_574 = arith.addi %mul3A_80, %add3A_573 : i32
        %get3A_575 = arith.index_cast %add3A_574 : i32 to index
        %get3A_576 = arith.constant 64 : index
        %get3A_577 = tpu.vector_load %arg5[%get3A_575, %get3A_576] {strides = array<i32>} : memref<256x128xf32, #tpu.memory_space<vmem>>, vector<1x16xf32>,
        %get3A_578 = vector.shape_cast %get3A_577 : vector<1x16xf32> to vector<16xf32>
        %add3A_579 = arith.constant 6 : i32
        %add3A_580 = arith.addi %mul3A_80, %add3A_579 : i32
        %get3A_581 = arith.index_cast %add3A_580 : i32 to index
        %get3A_582 = arith.constant 64 : index
        %get3A_583 = tpu.vector_load %arg5[%get3A_581, %get3A_582] {strides = array<i32>} : memref<256x128xf32, #tpu.memory_space<vmem>>, vector<1x16xf32>,
        %get3A_584 = vector.shape_cast %get3A_583 : vector<1x16xf32> to vector<16xf32>
        %add3A_585 = arith.constant 7 : i32
        %add3A_586 = arith.addi %mul3A_80, %add3A_585 : i32
        %get3A_587 = arith.index_cast %add3A_586 : i32 to index
        %get3A_588 = arith.constant 64 : index
        %get3A_589 = tpu.vector_load %arg5[%get3A_587, %get3A_588] {strides = array<i32>} : memref<256x128xf32, #tpu.memory_space<vmem>>, vector<1x16xf32>,
        %get3A_590 = vector.shape_cast %get3A_589 : vector<1x16xf32> to vector<16xf32>
        %add3A_591 = arith.constant 8 : i32
        %add3A_592 = arith.addi %mul3A_80, %add3A_591 : i32
        %get3A_593 = arith.index_cast %add3A_592 : i32 to index
        %get3A_594 = arith.constant 64 : index
        %get3A_595 = tpu.vector_load %arg5[%get3A_593, %get3A_594] {strides = array<i32>} : memref<256x128xf32, #tpu.memory_space<vmem>>, vector<1x16xf32>,
        %get3A_596 = vector.shape_cast %get3A_595 : vector<1x16xf32> to vector<16xf32>
        %add3A_597 = arith.constant 9 : i32
        %add3A_598 = arith.addi %mul3A_80, %add3A_597 : i32
        %get3A_599 = arith.index_cast %add3A_598 : i32 to index
        %get3A_600 = arith.constant 64 : index
        %get3A_601 = tpu.vector_load %arg5[%get3A_599, %get3A_600] {strides = array<i32>} : memref<256x128xf32, #tpu.memory_space<vmem>>, vector<1x16xf32>,
        %get3A_602 = vector.shape_cast %get3A_601 : vector<1x16xf32> to vector<16xf32>
        %add3A_603 = arith.constant 10 : i32
        %add3A_604 = arith.addi %mul3A_80, %add3A_603 : i32
        %get3A_605 = arith.index_cast %add3A_604 : i32 to index
        %get3A_606 = arith.constant 64 : index
        %get3A_607 = tpu.vector_load %arg5[%get3A_605, %get3A_606] {strides = array<i32>} : memref<256x128xf32, #tpu.memory_space<vmem>>, vector<1x16xf32>,
        %get3A_608 = vector.shape_cast %get3A_607 : vector<1x16xf32> to vector<16xf32>
        %add3A_609 = arith.constant 11 : i32
        %add3A_610 = arith.addi %mul3A_80, %add3A_609 : i32
        %get3A_611 = arith.index_cast %add3A_610 : i32 to index
        %get3A_612 = arith.constant 64 : index
        %get3A_613 = tpu.vector_load %arg5[%get3A_611, %get3A_612] {strides = array<i32>} : memref<256x128xf32, #tpu.memory_space<vmem>>, vector<1x16xf32>,
        %get3A_614 = vector.shape_cast %get3A_613 : vector<1x16xf32> to vector<16xf32>
        %add3A_615 = arith.constant 12 : i32
        %add3A_616 = arith.addi %mul3A_80, %add3A_615 : i32
        %get3A_617 = arith.index_cast %add3A_616 : i32 to index
        %get3A_618 = arith.constant 64 : index
        %get3A_619 = tpu.vector_load %arg5[%get3A_617, %get3A_618] {strides = array<i32>} : memref<256x128xf32, #tpu.memory_space<vmem>>, vector<1x16xf32>,
        %get3A_620 = vector.shape_cast %get3A_619 : vector<1x16xf32> to vector<16xf32>
        %add3A_621 = arith.constant 13 : i32
        %add3A_622 = arith.addi %mul3A_80, %add3A_621 : i32
        %get3A_623 = arith.index_cast %add3A_622 : i32 to index
        %get3A_624 = arith.constant 64 : index
        %get3A_625 = tpu.vector_load %arg5[%get3A_623, %get3A_624] {strides = array<i32>} : memref<256x128xf32, #tpu.memory_space<vmem>>, vector<1x16xf32>,
        %get3A_626 = vector.shape_cast %get3A_625 : vector<1x16xf32> to vector<16xf32>
        %add3A_627 = arith.constant 14 : i32
        %add3A_628 = arith.addi %mul3A_80, %add3A_627 : i32
        %get3A_629 = arith.index_cast %add3A_628 : i32 to index
        %get3A_630 = arith.constant 64 : index
        %get3A_631 = tpu.vector_load %arg5[%get3A_629, %get3A_630] {strides = array<i32>} : memref<256x128xf32, #tpu.memory_space<vmem>>, vector<1x16xf32>,
        %get3A_632 = vector.shape_cast %get3A_631 : vector<1x16xf32> to vector<16xf32>
        %add3A_633 = arith.constant 15 : i32
        %add3A_634 = arith.addi %mul3A_80, %add3A_633 : i32
        %get3A_635 = arith.index_cast %add3A_634 : i32 to index
        %get3A_636 = arith.constant 64 : index
        %get3A_637 = tpu.vector_load %arg5[%get3A_635, %get3A_636] {strides = array<i32>} : memref<256x128xf32, #tpu.memory_space<vmem>>, vector<1x16xf32>,
        %get3A_638 = vector.shape_cast %get3A_637 : vector<1x16xf32> to vector<16xf32>
        %add3A_639 = arith.addf %get3A_548, %get3A_554 : vector<16xf32>
        %add3A_640 = arith.addf %get3A_560, %get3A_566 : vector<16xf32>
        %add3A_641 = arith.addf %get3A_572, %get3A_578 : vector<16xf32>
        %add3A_642 = arith.addf %get3A_584, %get3A_590 : vector<16xf32>
        %add3A_643 = arith.addf %get3A_596, %get3A_602 : vector<16xf32>
        %add3A_644 = arith.addf %get3A_608, %get3A_614 : vector<16xf32>
        %add3A_645 = arith.addf %get3A_620, %get3A_626 : vector<16xf32>
        %add3A_646 = arith.addf %get3A_632, %get3A_638 : vector<16xf32>
        %add3A_647 = arith.addf %add3A_639, %add3A_640 : vector<16xf32>
        %add3A_648 = arith.addf %add3A_641, %add3A_642 : vector<16xf32>
        %add3A_649 = arith.addf %add3A_643, %add3A_644 : vector<16xf32>
        %add3A_650 = arith.addf %add3A_645, %add3A_646 : vector<16xf32>
        %add3A_651 = arith.addf %add3A_647, %add3A_648 : vector<16xf32>
        %add3A_652 = arith.addf %add3A_649, %add3A_650 : vector<16xf32>
        %add3A_653 = arith.addf %add3A_651, %add3A_652 : vector<16xf32>
        %swap3A_654 = arith.index_cast %scan3A_78 : i32 to index
        %swap3A_655 = arith.constant 64 : index
        %swap3A_656 = tpu.vector_load %arg6[%swap3A_654, %swap3A_655] {strides = array<i32>} : memref<16x128xf32, #tpu.memory_space<vmem>>, vector<1x16xf32>,
        %swap3A_657 = vector.shape_cast %swap3A_656 : vector<1x16xf32> to vector<16xf32>
        %swap3A_658 = vector.shape_cast %add3A_653 : vector<16xf32> to vector<1x16xf32>
        tpu.vector_store %arg6[%swap3A_654, %swap3A_655], %swap3A_658 {strides = array<i32>} : memref<16x128xf32, #tpu.memory_space<vmem>>, vector<1x16xf32>,
        %add3A_659 = arith.constant 0 : i32
        %add3A_660 = arith.addi %mul3A_80, %add3A_659 : i32
        %get3A_661 = arith.index_cast %add3A_660 : i32 to index
        %get3A_662 = arith.constant 80 : index
        %get3A_663 = tpu.vector_load %arg5[%get3A_661, %get3A_662] {strides = array<i32>} : memref<256x128xf32, #tpu.memory_space<vmem>>, vector<1x16xf32>,
        %get3A_664 = vector.shape_cast %get3A_663 : vector<1x16xf32> to vector<16xf32>
        %add3A_665 = arith.constant 1 : i32
        %add3A_666 = arith.addi %mul3A_80, %add3A_665 : i32
        %get3A_667 = arith.index_cast %add3A_666 : i32 to index
        %get3A_668 = arith.constant 80 : index
        %get3A_669 = tpu.vector_load %arg5[%get3A_667, %get3A_668] {strides = array<i32>} : memref<256x128xf32, #tpu.memory_space<vmem>>, vector<1x16xf32>,
        %get3A_670 = vector.shape_cast %get3A_669 : vector<1x16xf32> to vector<16xf32>
        %add3A_671 = arith.constant 2 : i32
        %add3A_672 = arith.addi %mul3A_80, %add3A_671 : i32
        %get3A_673 = arith.index_cast %add3A_672 : i32 to index
        %get3A_674 = arith.constant 80 : index
        %get3A_675 = tpu.vector_load %arg5[%get3A_673, %get3A_674] {strides = array<i32>} : memref<256x128xf32, #tpu.memory_space<vmem>>, vector<1x16xf32>,
        %get3A_676 = vector.shape_cast %get3A_675 : vector<1x16xf32> to vector<16xf32>
        %add3A_677 = arith.constant 3 : i32
        %add3A_678 = arith.addi %mul3A_80, %add3A_677 : i32
        %get3A_679 = arith.index_cast %add3A_678 : i32 to index
        %get3A_680 = arith.constant 80 : index
        %get3A_681 = tpu.vector_load %arg5[%get3A_679, %get3A_680] {strides = array<i32>} : memref<256x128xf32, #tpu.memory_space<vmem>>, vector<1x16xf32>,
        %get3A_682 = vector.shape_cast %get3A_681 : vector<1x16xf32> to vector<16xf32>
        %add3A_683 = arith.constant 4 : i32
        %add3A_684 = arith.addi %mul3A_80, %add3A_683 : i32
        %get3A_685 = arith.index_cast %add3A_684 : i32 to index
        %get3A_686 = arith.constant 80 : index
        %get3A_687 = tpu.vector_load %arg5[%get3A_685, %get3A_686] {strides = array<i32>} : memref<256x128xf32, #tpu.memory_space<vmem>>, vector<1x16xf32>,
        %get3A_688 = vector.shape_cast %get3A_687 : vector<1x16xf32> to vector<16xf32>
        %add3A_689 = arith.constant 5 : i32
        %add3A_690 = arith.addi %mul3A_80, %add3A_689 : i32
        %get3A_691 = arith.index_cast %add3A_690 : i32 to index
        %get3A_692 = arith.constant 80 : index
        %get3A_693 = tpu.vector_load %arg5[%get3A_691, %get3A_692] {strides = array<i32>} : memref<256x128xf32, #tpu.memory_space<vmem>>, vector<1x16xf32>,
        %get3A_694 = vector.shape_cast %get3A_693 : vector<1x16xf32> to vector<16xf32>
        %add3A_695 = arith.constant 6 : i32
        %add3A_696 = arith.addi %mul3A_80, %add3A_695 : i32
        %get3A_697 = arith.index_cast %add3A_696 : i32 to index
        %get3A_698 = arith.constant 80 : index
        %get3A_699 = tpu.vector_load %arg5[%get3A_697, %get3A_698] {strides = array<i32>} : memref<256x128xf32, #tpu.memory_space<vmem>>, vector<1x16xf32>,
        %get3A_700 = vector.shape_cast %get3A_699 : vector<1x16xf32> to vector<16xf32>
        %add3A_701 = arith.constant 7 : i32
        %add3A_702 = arith.addi %mul3A_80, %add3A_701 : i32
        %get3A_703 = arith.index_cast %add3A_702 : i32 to index
        %get3A_704 = arith.constant 80 : index
        %get3A_705 = tpu.vector_load %arg5[%get3A_703, %get3A_704] {strides = array<i32>} : memref<256x128xf32, #tpu.memory_space<vmem>>, vector<1x16xf32>,
        %get3A_706 = vector.shape_cast %get3A_705 : vector<1x16xf32> to vector<16xf32>
        %add3A_707 = arith.constant 8 : i32
        %add3A_708 = arith.addi %mul3A_80, %add3A_707 : i32
        %get3A_709 = arith.index_cast %add3A_708 : i32 to index
        %get3A_710 = arith.constant 80 : index
        %get3A_711 = tpu.vector_load %arg5[%get3A_709, %get3A_710] {strides = array<i32>} : memref<256x128xf32, #tpu.memory_space<vmem>>, vector<1x16xf32>,
        %get3A_712 = vector.shape_cast %get3A_711 : vector<1x16xf32> to vector<16xf32>
        %add3A_713 = arith.constant 9 : i32
        %add3A_714 = arith.addi %mul3A_80, %add3A_713 : i32
        %get3A_715 = arith.index_cast %add3A_714 : i32 to index
        %get3A_716 = arith.constant 80 : index
        %get3A_717 = tpu.vector_load %arg5[%get3A_715, %get3A_716] {strides = array<i32>} : memref<256x128xf32, #tpu.memory_space<vmem>>, vector<1x16xf32>,
        %get3A_718 = vector.shape_cast %get3A_717 : vector<1x16xf32> to vector<16xf32>
        %add3A_719 = arith.constant 10 : i32
        %add3A_720 = arith.addi %mul3A_80, %add3A_719 : i32
        %get3A_721 = arith.index_cast %add3A_720 : i32 to index
        %get3A_722 = arith.constant 80 : index
        %get3A_723 = tpu.vector_load %arg5[%get3A_721, %get3A_722] {strides = array<i32>} : memref<256x128xf32, #tpu.memory_space<vmem>>, vector<1x16xf32>,
        %get3A_724 = vector.shape_cast %get3A_723 : vector<1x16xf32> to vector<16xf32>
        %add3A_725 = arith.constant 11 : i32
        %add3A_726 = arith.addi %mul3A_80, %add3A_725 : i32
        %get3A_727 = arith.index_cast %add3A_726 : i32 to index
        %get3A_728 = arith.constant 80 : index
        %get3A_729 = tpu.vector_load %arg5[%get3A_727, %get3A_728] {strides = array<i32>} : memref<256x128xf32, #tpu.memory_space<vmem>>, vector<1x16xf32>,
        %get3A_730 = vector.shape_cast %get3A_729 : vector<1x16xf32> to vector<16xf32>
        %add3A_731 = arith.constant 12 : i32
        %add3A_732 = arith.addi %mul3A_80, %add3A_731 : i32
        %get3A_733 = arith.index_cast %add3A_732 : i32 to index
        %get3A_734 = arith.constant 80 : index
        %get3A_735 = tpu.vector_load %arg5[%get3A_733, %get3A_734] {strides = array<i32>} : memref<256x128xf32, #tpu.memory_space<vmem>>, vector<1x16xf32>,
        %get3A_736 = vector.shape_cast %get3A_735 : vector<1x16xf32> to vector<16xf32>
        %add3A_737 = arith.constant 13 : i32
        %add3A_738 = arith.addi %mul3A_80, %add3A_737 : i32
        %get3A_739 = arith.index_cast %add3A_738 : i32 to index
        %get3A_740 = arith.constant 80 : index
        %get3A_741 = tpu.vector_load %arg5[%get3A_739, %get3A_740] {strides = array<i32>} : memref<256x128xf32, #tpu.memory_space<vmem>>, vector<1x16xf32>,
        %get3A_742 = vector.shape_cast %get3A_741 : vector<1x16xf32> to vector<16xf32>
        %add3A_743 = arith.constant 14 : i32
        %add3A_744 = arith.addi %mul3A_80, %add3A_743 : i32
        %get3A_745 = arith.index_cast %add3A_744 : i32 to index
        %get3A_746 = arith.constant 80 : index
        %get3A_747 = tpu.vector_load %arg5[%get3A_745, %get3A_746] {strides = array<i32>} : memref<256x128xf32, #tpu.memory_space<vmem>>, vector<1x16xf32>,
        %get3A_748 = vector.shape_cast %get3A_747 : vector<1x16xf32> to vector<16xf32>
        %add3A_749 = arith.constant 15 : i32
        %add3A_750 = arith.addi %mul3A_80, %add3A_749 : i32
        %get3A_751 = arith.index_cast %add3A_750 : i32 to index
        %get3A_752 = arith.constant 80 : index
        %get3A_753 = tpu.vector_load %arg5[%get3A_751, %get3A_752] {strides = array<i32>} : memref<256x128xf32, #tpu.memory_space<vmem>>, vector<1x16xf32>,
        %get3A_754 = vector.shape_cast %get3A_753 : vector<1x16xf32> to vector<16xf32>
        %add3A_755 = arith.addf %get3A_664, %get3A_670 : vector<16xf32>
        %add3A_756 = arith.addf %get3A_676, %get3A_682 : vector<16xf32>
        %add3A_757 = arith.addf %get3A_688, %get3A_694 : vector<16xf32>
        %add3A_758 = arith.addf %get3A_700, %get3A_706 : vector<16xf32>
        %add3A_759 = arith.addf %get3A_712, %get3A_718 : vector<16xf32>
        %add3A_760 = arith.addf %get3A_724, %get3A_730 : vector<16xf32>
        %add3A_761 = arith.addf %get3A_736, %get3A_742 : vector<16xf32>
        %add3A_762 = arith.addf %get3A_748, %get3A_754 : vector<16xf32>
        %add3A_763 = arith.addf %add3A_755, %add3A_756 : vector<16xf32>
        %add3A_764 = arith.addf %add3A_757, %add3A_758 : vector<16xf32>
        %add3A_765 = arith.addf %add3A_759, %add3A_760 : vector<16xf32>
        %add3A_766 = arith.addf %add3A_761, %add3A_762 : vector<16xf32>
        %add3A_767 = arith.addf %add3A_763, %add3A_764 : vector<16xf32>
        %add3A_768 = arith.addf %add3A_765, %add3A_766 : vector<16xf32>
        %add3A_769 = arith.addf %add3A_767, %add3A_768 : vector<16xf32>
        %swap3A_770 = arith.index_cast %scan3A_78 : i32 to index
        %swap3A_771 = arith.constant 80 : index
        %swap3A_772 = tpu.vector_load %arg6[%swap3A_770, %swap3A_771] {strides = array<i32>} : memref<16x128xf32, #tpu.memory_space<vmem>>, vector<1x16xf32>,
        %swap3A_773 = vector.shape_cast %swap3A_772 : vector<1x16xf32> to vector<16xf32>
        %swap3A_774 = vector.shape_cast %add3A_769 : vector<16xf32> to vector<1x16xf32>
        tpu.vector_store %arg6[%swap3A_770, %swap3A_771], %swap3A_774 {strides = array<i32>} : memref<16x128xf32, #tpu.memory_space<vmem>>, vector<1x16xf32>,
        %add3A_775 = arith.constant 0 : i32
        %add3A_776 = arith.addi %mul3A_80, %add3A_775 : i32
        %get3A_777 = arith.index_cast %add3A_776 : i32 to index
        %get3A_778 = arith.constant 96 : index
        %get3A_779 = tpu.vector_load %arg5[%get3A_777, %get3A_778] {strides = array<i32>} : memref<256x128xf32, #tpu.memory_space<vmem>>, vector<1x16xf32>,
        %get3A_780 = vector.shape_cast %get3A_779 : vector<1x16xf32> to vector<16xf32>
        %add3A_781 = arith.constant 1 : i32
        %add3A_782 = arith.addi %mul3A_80, %add3A_781 : i32
        %get3A_783 = arith.index_cast %add3A_782 : i32 to index
        %get3A_784 = arith.constant 96 : index
        %get3A_785 = tpu.vector_load %arg5[%get3A_783, %get3A_784] {strides = array<i32>} : memref<256x128xf32, #tpu.memory_space<vmem>>, vector<1x16xf32>,
        %get3A_786 = vector.shape_cast %get3A_785 : vector<1x16xf32> to vector<16xf32>
        %add3A_787 = arith.constant 2 : i32
        %add3A_788 = arith.addi %mul3A_80, %add3A_787 : i32
        %get3A_789 = arith.index_cast %add3A_788 : i32 to index
        %get3A_790 = arith.constant 96 : index
        %get3A_791 = tpu.vector_load %arg5[%get3A_789, %get3A_790] {strides = array<i32>} : memref<256x128xf32, #tpu.memory_space<vmem>>, vector<1x16xf32>,
        %get3A_792 = vector.shape_cast %get3A_791 : vector<1x16xf32> to vector<16xf32>
        %add3A_793 = arith.constant 3 : i32
        %add3A_794 = arith.addi %mul3A_80, %add3A_793 : i32
        %get3A_795 = arith.index_cast %add3A_794 : i32 to index
        %get3A_796 = arith.constant 96 : index
        %get3A_797 = tpu.vector_load %arg5[%get3A_795, %get3A_796] {strides = array<i32>} : memref<256x128xf32, #tpu.memory_space<vmem>>, vector<1x16xf32>,
        %get3A_798 = vector.shape_cast %get3A_797 : vector<1x16xf32> to vector<16xf32>
        %add3A_799 = arith.constant 4 : i32
        %add3A_800 = arith.addi %mul3A_80, %add3A_799 : i32
        %get3A_801 = arith.index_cast %add3A_800 : i32 to index
        %get3A_802 = arith.constant 96 : index
        %get3A_803 = tpu.vector_load %arg5[%get3A_801, %get3A_802] {strides = array<i32>} : memref<256x128xf32, #tpu.memory_space<vmem>>, vector<1x16xf32>,
        %get3A_804 = vector.shape_cast %get3A_803 : vector<1x16xf32> to vector<16xf32>
        %add3A_805 = arith.constant 5 : i32
        %add3A_806 = arith.addi %mul3A_80, %add3A_805 : i32
        %get3A_807 = arith.index_cast %add3A_806 : i32 to index
        %get3A_808 = arith.constant 96 : index
        %get3A_809 = tpu.vector_load %arg5[%get3A_807, %get3A_808] {strides = array<i32>} : memref<256x128xf32, #tpu.memory_space<vmem>>, vector<1x16xf32>,
        %get3A_810 = vector.shape_cast %get3A_809 : vector<1x16xf32> to vector<16xf32>
        %add3A_811 = arith.constant 6 : i32
        %add3A_812 = arith.addi %mul3A_80, %add3A_811 : i32
        %get3A_813 = arith.index_cast %add3A_812 : i32 to index
        %get3A_814 = arith.constant 96 : index
        %get3A_815 = tpu.vector_load %arg5[%get3A_813, %get3A_814] {strides = array<i32>} : memref<256x128xf32, #tpu.memory_space<vmem>>, vector<1x16xf32>,
        %get3A_816 = vector.shape_cast %get3A_815 : vector<1x16xf32> to vector<16xf32>
        %add3A_817 = arith.constant 7 : i32
        %add3A_818 = arith.addi %mul3A_80, %add3A_817 : i32
        %get3A_819 = arith.index_cast %add3A_818 : i32 to index
        %get3A_820 = arith.constant 96 : index
        %get3A_821 = tpu.vector_load %arg5[%get3A_819, %get3A_820] {strides = array<i32>} : memref<256x128xf32, #tpu.memory_space<vmem>>, vector<1x16xf32>,
        %get3A_822 = vector.shape_cast %get3A_821 : vector<1x16xf32> to vector<16xf32>
        %add3A_823 = arith.constant 8 : i32
        %add3A_824 = arith.addi %mul3A_80, %add3A_823 : i32
        %get3A_825 = arith.index_cast %add3A_824 : i32 to index
        %get3A_826 = arith.constant 96 : index
        %get3A_827 = tpu.vector_load %arg5[%get3A_825, %get3A_826] {strides = array<i32>} : memref<256x128xf32, #tpu.memory_space<vmem>>, vector<1x16xf32>,
        %get3A_828 = vector.shape_cast %get3A_827 : vector<1x16xf32> to vector<16xf32>
        %add3A_829 = arith.constant 9 : i32
        %add3A_830 = arith.addi %mul3A_80, %add3A_829 : i32
        %get3A_831 = arith.index_cast %add3A_830 : i32 to index
        %get3A_832 = arith.constant 96 : index
        %get3A_833 = tpu.vector_load %arg5[%get3A_831, %get3A_832] {strides = array<i32>} : memref<256x128xf32, #tpu.memory_space<vmem>>, vector<1x16xf32>,
        %get3A_834 = vector.shape_cast %get3A_833 : vector<1x16xf32> to vector<16xf32>
        %add3A_835 = arith.constant 10 : i32
        %add3A_836 = arith.addi %mul3A_80, %add3A_835 : i32
        %get3A_837 = arith.index_cast %add3A_836 : i32 to index
        %get3A_838 = arith.constant 96 : index
        %get3A_839 = tpu.vector_load %arg5[%get3A_837, %get3A_838] {strides = array<i32>} : memref<256x128xf32, #tpu.memory_space<vmem>>, vector<1x16xf32>,
        %get3A_840 = vector.shape_cast %get3A_839 : vector<1x16xf32> to vector<16xf32>
        %add3A_841 = arith.constant 11 : i32
        %add3A_842 = arith.addi %mul3A_80, %add3A_841 : i32
        %get3A_843 = arith.index_cast %add3A_842 : i32 to index
        %get3A_844 = arith.constant 96 : index
        %get3A_845 = tpu.vector_load %arg5[%get3A_843, %get3A_844] {strides = array<i32>} : memref<256x128xf32, #tpu.memory_space<vmem>>, vector<1x16xf32>,
        %get3A_846 = vector.shape_cast %get3A_845 : vector<1x16xf32> to vector<16xf32>
        %add3A_847 = arith.constant 12 : i32
        %add3A_848 = arith.addi %mul3A_80, %add3A_847 : i32
        %get3A_849 = arith.index_cast %add3A_848 : i32 to index
        %get3A_850 = arith.constant 96 : index
        %get3A_851 = tpu.vector_load %arg5[%get3A_849, %get3A_850] {strides = array<i32>} : memref<256x128xf32, #tpu.memory_space<vmem>>, vector<1x16xf32>,
        %get3A_852 = vector.shape_cast %get3A_851 : vector<1x16xf32> to vector<16xf32>
        %add3A_853 = arith.constant 13 : i32
        %add3A_854 = arith.addi %mul3A_80, %add3A_853 : i32
        %get3A_855 = arith.index_cast %add3A_854 : i32 to index
        %get3A_856 = arith.constant 96 : index
        %get3A_857 = tpu.vector_load %arg5[%get3A_855, %get3A_856] {strides = array<i32>} : memref<256x128xf32, #tpu.memory_space<vmem>>, vector<1x16xf32>,
        %get3A_858 = vector.shape_cast %get3A_857 : vector<1x16xf32> to vector<16xf32>
        %add3A_859 = arith.constant 14 : i32
        %add3A_860 = arith.addi %mul3A_80, %add3A_859 : i32
        %get3A_861 = arith.index_cast %add3A_860 : i32 to index
        %get3A_862 = arith.constant 96 : index
        %get3A_863 = tpu.vector_load %arg5[%get3A_861, %get3A_862] {strides = array<i32>} : memref<256x128xf32, #tpu.memory_space<vmem>>, vector<1x16xf32>,
        %get3A_864 = vector.shape_cast %get3A_863 : vector<1x16xf32> to vector<16xf32>
        %add3A_865 = arith.constant 15 : i32
        %add3A_866 = arith.addi %mul3A_80, %add3A_865 : i32
        %get3A_867 = arith.index_cast %add3A_866 : i32 to index
        %get3A_868 = arith.constant 96 : index
        %get3A_869 = tpu.vector_load %arg5[%get3A_867, %get3A_868] {strides = array<i32>} : memref<256x128xf32, #tpu.memory_space<vmem>>, vector<1x16xf32>,
        %get3A_870 = vector.shape_cast %get3A_869 : vector<1x16xf32> to vector<16xf32>
        %add3A_871 = arith.addf %get3A_780, %get3A_786 : vector<16xf32>
        %add3A_872 = arith.addf %get3A_792, %get3A_798 : vector<16xf32>
        %add3A_873 = arith.addf %get3A_804, %get3A_810 : vector<16xf32>
        %add3A_874 = arith.addf %get3A_816, %get3A_822 : vector<16xf32>
        %add3A_875 = arith.addf %get3A_828, %get3A_834 : vector<16xf32>
        %add3A_876 = arith.addf %get3A_840, %get3A_846 : vector<16xf32>
        %add3A_877 = arith.addf %get3A_852, %get3A_858 : vector<16xf32>
        %add3A_878 = arith.addf %get3A_864, %get3A_870 : vector<16xf32>
        %add3A_879 = arith.addf %add3A_871, %add3A_872 : vector<16xf32>
        %add3A_880 = arith.addf %add3A_873, %add3A_874 : vector<16xf32>
        %add3A_881 = arith.addf %add3A_875, %add3A_876 : vector<16xf32>
        %add3A_882 = arith.addf %add3A_877, %add3A_878 : vector<16xf32>
        %add3A_883 = arith.addf %add3A_879, %add3A_880 : vector<16xf32>
        %add3A_884 = arith.addf %add3A_881, %add3A_882 : vector<16xf32>
        %add3A_885 = arith.addf %add3A_883, %add3A_884 : vector<16xf32>
        %swap3A_886 = arith.index_cast %scan3A_78 : i32 to index
        %swap3A_887 = arith.constant 96 : index
        %swap3A_888 = tpu.vector_load %arg6[%swap3A_886, %swap3A_887] {strides = array<i32>} : memref<16x128xf32, #tpu.memory_space<vmem>>, vector<1x16xf32>,
        %swap3A_889 = vector.shape_cast %swap3A_888 : vector<1x16xf32> to vector<16xf32>
        %swap3A_890 = vector.shape_cast %add3A_885 : vector<16xf32> to vector<1x16xf32>
        tpu.vector_store %arg6[%swap3A_886, %swap3A_887], %swap3A_890 {strides = array<i32>} : memref<16x128xf32, #tpu.memory_space<vmem>>, vector<1x16xf32>,
        %add3A_891 = arith.constant 0 : i32
        %add3A_892 = arith.addi %mul3A_80, %add3A_891 : i32
        %get3A_893 = arith.index_cast %add3A_892 : i32 to index
        %get3A_894 = arith.constant 112 : index
        %get3A_895 = tpu.vector_load %arg5[%get3A_893, %get3A_894] {strides = array<i32>} : memref<256x128xf32, #tpu.memory_space<vmem>>, vector<1x16xf32>,
        %get3A_896 = vector.shape_cast %get3A_895 : vector<1x16xf32> to vector<16xf32>
        %add3A_897 = arith.constant 1 : i32
        %add3A_898 = arith.addi %mul3A_80, %add3A_897 : i32
        %get3A_899 = arith.index_cast %add3A_898 : i32 to index
        %get3A_900 = arith.constant 112 : index
        %get3A_901 = tpu.vector_load %arg5[%get3A_899, %get3A_900] {strides = array<i32>} : memref<256x128xf32, #tpu.memory_space<vmem>>, vector<1x16xf32>,
        %get3A_902 = vector.shape_cast %get3A_901 : vector<1x16xf32> to vector<16xf32>
        %add3A_903 = arith.constant 2 : i32
        %add3A_904 = arith.addi %mul3A_80, %add3A_903 : i32
        %get3A_905 = arith.index_cast %add3A_904 : i32 to index
        %get3A_906 = arith.constant 112 : index
        %get3A_907 = tpu.vector_load %arg5[%get3A_905, %get3A_906] {strides = array<i32>} : memref<256x128xf32, #tpu.memory_space<vmem>>, vector<1x16xf32>,
        %get3A_908 = vector.shape_cast %get3A_907 : vector<1x16xf32> to vector<16xf32>
        %add3A_909 = arith.constant 3 : i32
        %add3A_910 = arith.addi %mul3A_80, %add3A_909 : i32
        %get3A_911 = arith.index_cast %add3A_910 : i32 to index
        %get3A_912 = arith.constant 112 : index
        %get3A_913 = tpu.vector_load %arg5[%get3A_911, %get3A_912] {strides = array<i32>} : memref<256x128xf32, #tpu.memory_space<vmem>>, vector<1x16xf32>,
        %get3A_914 = vector.shape_cast %get3A_913 : vector<1x16xf32> to vector<16xf32>
        %add3A_915 = arith.constant 4 : i32
        %add3A_916 = arith.addi %mul3A_80, %add3A_915 : i32
        %get3A_917 = arith.index_cast %add3A_916 : i32 to index
        %get3A_918 = arith.constant 112 : index
        %get3A_919 = tpu.vector_load %arg5[%get3A_917, %get3A_918] {strides = array<i32>} : memref<256x128xf32, #tpu.memory_space<vmem>>, vector<1x16xf32>,
        %get3A_920 = vector.shape_cast %get3A_919 : vector<1x16xf32> to vector<16xf32>
        %add3A_921 = arith.constant 5 : i32
        %add3A_922 = arith.addi %mul3A_80, %add3A_921 : i32
        %get3A_923 = arith.index_cast %add3A_922 : i32 to index
        %get3A_924 = arith.constant 112 : index
        %get3A_925 = tpu.vector_load %arg5[%get3A_923, %get3A_924] {strides = array<i32>} : memref<256x128xf32, #tpu.memory_space<vmem>>, vector<1x16xf32>,
        %get3A_926 = vector.shape_cast %get3A_925 : vector<1x16xf32> to vector<16xf32>
        %add3A_927 = arith.constant 6 : i32
        %add3A_928 = arith.addi %mul3A_80, %add3A_927 : i32
        %get3A_929 = arith.index_cast %add3A_928 : i32 to index
        %get3A_930 = arith.constant 112 : index
        %get3A_931 = tpu.vector_load %arg5[%get3A_929, %get3A_930] {strides = array<i32>} : memref<256x128xf32, #tpu.memory_space<vmem>>, vector<1x16xf32>,
        %get3A_932 = vector.shape_cast %get3A_931 : vector<1x16xf32> to vector<16xf32>
        %add3A_933 = arith.constant 7 : i32
        %add3A_934 = arith.addi %mul3A_80, %add3A_933 : i32
        %get3A_935 = arith.index_cast %add3A_934 : i32 to index
        %get3A_936 = arith.constant 112 : index
        %get3A_937 = tpu.vector_load %arg5[%get3A_935, %get3A_936] {strides = array<i32>} : memref<256x128xf32, #tpu.memory_space<vmem>>, vector<1x16xf32>,
        %get3A_938 = vector.shape_cast %get3A_937 : vector<1x16xf32> to vector<16xf32>
        %add3A_939 = arith.constant 8 : i32
        %add3A_940 = arith.addi %mul3A_80, %add3A_939 : i32
        %get3A_941 = arith.index_cast %add3A_940 : i32 to index
        %get3A_942 = arith.constant 112 : index
        %get3A_943 = tpu.vector_load %arg5[%get3A_941, %get3A_942] {strides = array<i32>} : memref<256x128xf32, #tpu.memory_space<vmem>>, vector<1x16xf32>,
        %get3A_944 = vector.shape_cast %get3A_943 : vector<1x16xf32> to vector<16xf32>
        %add3A_945 = arith.constant 9 : i32
        %add3A_946 = arith.addi %mul3A_80, %add3A_945 : i32
        %get3A_947 = arith.index_cast %add3A_946 : i32 to index
        %get3A_948 = arith.constant 112 : index
        %get3A_949 = tpu.vector_load %arg5[%get3A_947, %get3A_948] {strides = array<i32>} : memref<256x128xf32, #tpu.memory_space<vmem>>, vector<1x16xf32>,
        %get3A_950 = vector.shape_cast %get3A_949 : vector<1x16xf32> to vector<16xf32>
        %add3A_951 = arith.constant 10 : i32
        %add3A_952 = arith.addi %mul3A_80, %add3A_951 : i32
        %get3A_953 = arith.index_cast %add3A_952 : i32 to index
        %get3A_954 = arith.constant 112 : index
        %get3A_955 = tpu.vector_load %arg5[%get3A_953, %get3A_954] {strides = array<i32>} : memref<256x128xf32, #tpu.memory_space<vmem>>, vector<1x16xf32>,
        %get3A_956 = vector.shape_cast %get3A_955 : vector<1x16xf32> to vector<16xf32>
        %add3A_957 = arith.constant 11 : i32
        %add3A_958 = arith.addi %mul3A_80, %add3A_957 : i32
        %get3A_959 = arith.index_cast %add3A_958 : i32 to index
        %get3A_960 = arith.constant 112 : index
        %get3A_961 = tpu.vector_load %arg5[%get3A_959, %get3A_960] {strides = array<i32>} : memref<256x128xf32, #tpu.memory_space<vmem>>, vector<1x16xf32>,
        %get3A_962 = vector.shape_cast %get3A_961 : vector<1x16xf32> to vector<16xf32>
        %add3A_963 = arith.constant 12 : i32
        %add3A_964 = arith.addi %mul3A_80, %add3A_963 : i32
        %get3A_965 = arith.index_cast %add3A_964 : i32 to index
        %get3A_966 = arith.constant 112 : index
        %get3A_967 = tpu.vector_load %arg5[%get3A_965, %get3A_966] {strides = array<i32>} : memref<256x128xf32, #tpu.memory_space<vmem>>, vector<1x16xf32>,
        %get3A_968 = vector.shape_cast %get3A_967 : vector<1x16xf32> to vector<16xf32>
        %add3A_969 = arith.constant 13 : i32
        %add3A_970 = arith.addi %mul3A_80, %add3A_969 : i32
        %get3A_971 = arith.index_cast %add3A_970 : i32 to index
        %get3A_972 = arith.constant 112 : index
        %get3A_973 = tpu.vector_load %arg5[%get3A_971, %get3A_972] {strides = array<i32>} : memref<256x128xf32, #tpu.memory_space<vmem>>, vector<1x16xf32>,
        %get3A_974 = vector.shape_cast %get3A_973 : vector<1x16xf32> to vector<16xf32>
        %add3A_975 = arith.constant 14 : i32
        %add3A_976 = arith.addi %mul3A_80, %add3A_975 : i32
        %get3A_977 = arith.index_cast %add3A_976 : i32 to index
        %get3A_978 = arith.constant 112 : index
        %get3A_979 = tpu.vector_load %arg5[%get3A_977, %get3A_978] {strides = array<i32>} : memref<256x128xf32, #tpu.memory_space<vmem>>, vector<1x16xf32>,
        %get3A_980 = vector.shape_cast %get3A_979 : vector<1x16xf32> to vector<16xf32>
        %add3A_981 = arith.constant 15 : i32
        %add3A_982 = arith.addi %mul3A_80, %add3A_981 : i32
        %get3A_983 = arith.index_cast %add3A_982 : i32 to index
        %get3A_984 = arith.constant 112 : index
        %get3A_985 = tpu.vector_load %arg5[%get3A_983, %get3A_984] {strides = array<i32>} : memref<256x128xf32, #tpu.memory_space<vmem>>, vector<1x16xf32>,
        %get3A_986 = vector.shape_cast %get3A_985 : vector<1x16xf32> to vector<16xf32>
        %add3A_987 = arith.addf %get3A_896, %get3A_902 : vector<16xf32>
        %add3A_988 = arith.addf %get3A_908, %get3A_914 : vector<16xf32>
        %add3A_989 = arith.addf %get3A_920, %get3A_926 : vector<16xf32>
        %add3A_990 = arith.addf %get3A_932, %get3A_938 : vector<16xf32>
        %add3A_991 = arith.addf %get3A_944, %get3A_950 : vector<16xf32>
        %add3A_992 = arith.addf %get3A_956, %get3A_962 : vector<16xf32>
        %add3A_993 = arith.addf %get3A_968, %get3A_974 : vector<16xf32>
        %add3A_994 = arith.addf %get3A_980, %get3A_986 : vector<16xf32>
        %add3A_995 = arith.addf %add3A_987, %add3A_988 : vector<16xf32>
        %add3A_996 = arith.addf %add3A_989, %add3A_990 : vector<16xf32>
        %add3A_997 = arith.addf %add3A_991, %add3A_992 : vector<16xf32>
        %add3A_998 = arith.addf %add3A_993, %add3A_994 : vector<16xf32>
        %add3A_999 = arith.addf %add3A_995, %add3A_996 : vector<16xf32>
        %add3A_1000 = arith.addf %add3A_997, %add3A_998 : vector<16xf32>
        %add3A_1001 = arith.addf %add3A_999, %add3A_1000 : vector<16xf32>
        %swap3A_1002 = arith.index_cast %scan3A_78 : i32 to index
        %swap3A_1003 = arith.constant 112 : index
        %swap3A_1004 = tpu.vector_load %arg6[%swap3A_1002, %swap3A_1003] {strides = array<i32>} : memref<16x128xf32, #tpu.memory_space<vmem>>, vector<1x16xf32>,
        %swap3A_1005 = vector.shape_cast %swap3A_1004 : vector<1x16xf32> to vector<16xf32>
        %swap3A_1006 = vector.shape_cast %add3A_1001 : vector<16xf32> to vector<1x16xf32>
        tpu.vector_store %arg6[%swap3A_1002, %swap3A_1003], %swap3A_1006 {strides = array<i32>} : memref<16x128xf32, #tpu.memory_space<vmem>>, vector<1x16xf32>,
      }
      %scan3A_72 = arith.constant 16 : i32
      %mul3A_73 = arith.constant 512 : i32
      %mul3A_74 = arith.muli %add3A, %mul3A_73 : i32
      %mul3A_75 = arith.constant 16 : i32
      %mul3A_76 = arith.muli %add3A_48, %mul3A_75 : i32
      %add3A_77 = arith.addi %mul3A_74, %mul3A_76 : i32
      "tpu.region"() ({
        %run_scoped3A = tpu.sem_alloc : memref<!tpu.dma_semaphore, #tpu.memory_space<semaphore_mem>>
        %dma_start3A_78 = arith.constant 0 : i32
        %dma_start3A_79 = tpu.memref_slice %arg3[%add3A_77, %dma_start3A_78] : memref<16384x128xf32, #tpu.memory_space<hbm>> -> memref<16x128xf32, #tpu.memory_space<hbm>>
        %dma_start3A_80 = arith.constant 0 : i32
        %dma_start3A_81 = tpu.memref_slice %arg3[%add3A_77, %dma_start3A_80] : memref<16384x128xf32, #tpu.memory_space<hbm>> -> memref<16x128xf32, #tpu.memory_space<hbm>>
        tpu.enqueue_dma source(%arg6 : memref<16x128xf32, #tpu.memory_space<vmem>>) target(%dma_start3A_81 : memref<16x128xf32, #tpu.memory_space<hbm>>) target_semaphore(%run_scoped3A : memref<!tpu.dma_semaphore, #tpu.memory_space<semaphore_mem>>)
        %dma_wait3A_82 = arith.constant 0 : i32
        %dma_wait3A_83 = tpu.memref_slice %arg3[%add3A_77, %dma_wait3A_82] : memref<16384x128xf32, #tpu.memory_space<hbm>> -> memref<16x128xf32, #tpu.memory_space<hbm>>
        %dma_wait3A_84 = arith.constant 0 : i32
        %dma_wait3A_85 = tpu.memref_slice %arg3[%add3A_77, %dma_wait3A_84] : memref<16384x128xf32, #tpu.memory_space<hbm>> -> memref<16x128xf32, #tpu.memory_space<hbm>>
        tpu.wait_dma2 semaphore(%run_scoped3A : memref<!tpu.dma_semaphore, #tpu.memory_space<semaphore_mem>>) src(%arg6 : memref<16x128xf32, #tpu.memory_space<vmem>>) dst(%dma_wait3A_85 : memref<16x128xf32, #tpu.memory_space<hbm>>)
        tpu.yield
      }) : () -> ()
    }
    %scan3A_14 = arith.constant 16 : i32
    return
  }
}

module attributes {stable_mosaic.version = 14 : i64} {
  func.func @_tc_mid_body(%arg0: i32, %arg1: memref<2048x128xf32, #tpu.memory_space<vmem>>, %arg2: memref<2048x128xf32, #tpu.memory_space<vmem>>, %arg3: memref<128x128xf32, #tpu.memory_space<vmem>>, %arg4: memref<128x128xf32, #tpu.memory_space<vmem>>, %arg5: memref<1x128xf32, #tpu.memory_space<vmem>>, %arg6: memref<128x128xf32, #tpu.memory_space<vmem>>, %arg7: memref<128x128xf32, #tpu.memory_space<vmem>>) attributes {dimension_semantics = [#tpu.dimension_semantics<arbitrary>], iteration_bounds = array<i64: 8>, scalar_prefetch = 0 : i64, scratch_operands = 0 : i64, tpu.core_type = #tpu.core_type<tc>, window_params = [{transform_indices = @transform_0, window_bounds = array<i64: 2048, 128>}, {transform_indices = @transform_1, window_bounds = array<i64: 2048, 128>}, {pipeline_mode = #tpu.pipeline_mode<synchronous>, transform_indices = @transform_2, window_bounds = array<i64: 128, 128>}, {pipeline_mode = #tpu.pipeline_mode<synchronous>, transform_indices = @transform_3, window_bounds = array<i64: 128, 128>}, {pipeline_mode = #tpu.pipeline_mode<synchronous>, transform_indices = @transform_4, window_bounds = array<i64: 1, 128>}, {transform_indices = @transform_5, window_bounds = array<i64: 128, 128>}, {transform_indices = @transform_6, window_bounds = array<i64: 128, 128>}]} {
    %get3A = arith.constant 0 : index
    %get3A_0 = arith.constant 0 : index
    %get3A_1 = vector.load %arg1[%get3A, %get3A_0] : memref<2048x128xf32, #tpu.memory_space<vmem>>, vector<2048x128xf32>
    %get3A_2 = arith.constant 0 : index
    %get3A_3 = arith.constant 0 : index
    %get3A_4 = vector.load %arg3[%get3A_2, %get3A_3] : memref<128x128xf32, #tpu.memory_space<vmem>>, vector<128x128xf32>
    %dot_general3A = arith.constant dense<0.000000e+00> : vector<2048x128xf32>
    %dot_general3A_5 = tpu.matmul %get3A_1, %get3A_4, %dot_general3A {dimension_numbers = #tpu.dot_dimension_numbers<[1], [0], [0], [1], [0, 0, 1, 1], [], []>, transpose_lhs_hint = false} : vector<2048x128xf32>, vector<128x128xf32>, vector<2048x128xf32> -> vector<2048x128xf32>
    %get3A_6 = arith.constant 0 : index
    %get3A_7 = arith.constant 0 : index
    %get3A_8 = vector.load %arg2[%get3A_6, %get3A_7] : memref<2048x128xf32, #tpu.memory_space<vmem>>, vector<2048x128xf32>
    %get3A_9 = arith.constant 0 : index
    %get3A_10 = arith.constant 0 : index
    %get3A_11 = vector.load %arg4[%get3A_9, %get3A_10] : memref<128x128xf32, #tpu.memory_space<vmem>>, vector<128x128xf32>
    %dot_general3A_12 = arith.constant dense<0.000000e+00> : vector<2048x128xf32>
    %dot_general3A_13 = tpu.matmul %get3A_8, %get3A_11, %dot_general3A_12 {dimension_numbers = #tpu.dot_dimension_numbers<[1], [0], [0], [1], [0, 0, 1, 1], [], []>, transpose_lhs_hint = false} : vector<2048x128xf32>, vector<128x128xf32>, vector<2048x128xf32> -> vector<2048x128xf32>
    %add3A = arith.addf %dot_general3A_5, %dot_general3A_13 : vector<2048x128xf32>
    %get3A_14 = arith.constant 0 : index
    %get3A_15 = arith.constant 0 : index
    %get3A_16 = vector.load %arg5[%get3A_14, %get3A_15] : memref<1x128xf32, #tpu.memory_space<vmem>>, vector<1x128xf32>
    %add3A_17 = vector.broadcast %get3A_16 : vector<1x128xf32> to vector<2048x128xf32>
    %add3A_18 = arith.addf %add3A, %add3A_17 : vector<2048x128xf32>
    %max3A = arith.constant 0.000000e+00 : f32
    %max3A_19 = vector.broadcast %max3A : f32 to vector<2048x128xf32>
    %max3A_20 = arith.maximumf %add3A_18, %max3A_19 : vector<2048x128xf32>
    %reshape3A = vector.shape_cast %max3A_20 : vector<2048x128xf32> to vector<128x16x128xf32>
    %reduce_sum3A = arith.constant dense<0.000000e+00> : vector<128x128xf32>
    %reduce_sum3A_21 = vector.multi_reduction <add>, %reshape3A, %reduce_sum3A [1] : vector<128x16x128xf32> to vector<128x128xf32>
    %swap3A = arith.constant 0 : index
    %swap3A_22 = arith.constant 0 : index
    %swap3A_23 = vector.load %arg6[%swap3A, %swap3A_22] : memref<128x128xf32, #tpu.memory_space<vmem>>, vector<128x128xf32>
    tpu.vector_store %arg6[%swap3A, %swap3A_22], %reduce_sum3A_21 {strides = array<i32>} : memref<128x128xf32, #tpu.memory_space<vmem>>, vector<128x128xf32>,
    %reshape3A_24 = vector.shape_cast %get3A_1 : vector<2048x128xf32> to vector<128x16x128xf32>
    %reduce_sum3A_25 = arith.constant dense<0.000000e+00> : vector<128x128xf32>
    %reduce_sum3A_26 = vector.multi_reduction <add>, %reshape3A_24, %reduce_sum3A_25 [1] : vector<128x16x128xf32> to vector<128x128xf32>
    %swap3A_27 = arith.constant 0 : index
    %swap3A_28 = arith.constant 0 : index
    %swap3A_29 = vector.load %arg7[%swap3A_27, %swap3A_28] : memref<128x128xf32, #tpu.memory_space<vmem>>, vector<128x128xf32>
    tpu.vector_store %arg7[%swap3A_27, %swap3A_28], %reduce_sum3A_26 {strides = array<i32>} : memref<128x128xf32, #tpu.memory_space<vmem>>, vector<128x128xf32>,
    return
  }
  func.func @transform_0(%arg0: i32) -> (i32, i32) {
    %c0_i32 = arith.constant 0 : i32
    %c0_i32_0 = arith.constant 0 : i32
    return %arg0, %c0_i32 : i32, i32
  }
  func.func @transform_1(%arg0: i32) -> (i32, i32) {
    %c0_i32 = arith.constant 0 : i32
    %c0_i32_0 = arith.constant 0 : i32
    return %arg0, %c0_i32 : i32, i32
  }
  func.func @transform_2(%arg0: i32) -> (i32, i32) {
    %c0_i32 = arith.constant 0 : i32
    %c0_i32_0 = arith.constant 0 : i32
    %c0_i32_1 = arith.constant 0 : i32
    return %c0_i32, %c0_i32_0 : i32, i32
  }
  func.func @transform_3(%arg0: i32) -> (i32, i32) {
    %c0_i32 = arith.constant 0 : i32
    %c0_i32_0 = arith.constant 0 : i32
    %c0_i32_1 = arith.constant 0 : i32
    return %c0_i32, %c0_i32_0 : i32, i32
  }
  func.func @transform_4(%arg0: i32) -> (i32, i32) {
    %c0_i32 = arith.constant 0 : i32
    %c0_i32_0 = arith.constant 0 : i32
    %c0_i32_1 = arith.constant 0 : i32
    return %c0_i32, %c0_i32_0 : i32, i32
  }
  func.func @transform_5(%arg0: i32) -> (i32, i32) {
    %c0_i32 = arith.constant 0 : i32
    %c0_i32_0 = arith.constant 0 : i32
    return %arg0, %c0_i32 : i32, i32
  }
  func.func @transform_6(%arg0: i32) -> (i32, i32) {
    %c0_i32 = arith.constant 0 : i32
    %c0_i32_0 = arith.constant 0 : i32
    return %arg0, %c0_i32 : i32, i32
  }
}

module attributes {stable_mosaic.version = 14 : i64} {
  func.func @_tc_head_body(%arg0: memref<1024x128xf32, #tpu.memory_space<vmem>>, %arg1: memref<1024x128xf32, #tpu.memory_space<vmem>>, %arg2: memref<1024x128xf32, #tpu.memory_space<vmem>>, %arg3: memref<128x128xf32, #tpu.memory_space<vmem>>, %arg4: memref<128x128xf32, #tpu.memory_space<vmem>>, %arg5: memref<1x128xf32, #tpu.memory_space<vmem>>, %arg6: memref<128x128xf32, #tpu.memory_space<vmem>>, %arg7: memref<128x128xf32, #tpu.memory_space<vmem>>, %arg8: memref<1x128xf32, #tpu.memory_space<vmem>>, %arg9: memref<128x40xf32, #tpu.memory_space<vmem>>, %arg10: memref<1x40xf32, #tpu.memory_space<vmem>>, %arg11: memref<1024x40xf32, #tpu.memory_space<vmem>>) attributes {dimension_semantics = [], scalar_prefetch = 0 : i64, scratch_operands = 0 : i64, tpu.core_type = #tpu.core_type<tc>} {
    %get3A = arith.constant 0 : index
    %get3A_0 = arith.constant 0 : index
    %get3A_1 = vector.load %arg0[%get3A, %get3A_0] : memref<1024x128xf32, #tpu.memory_space<vmem>>, vector<1024x128xf32>
    %get3A_2 = arith.constant 0 : index
    %get3A_3 = arith.constant 0 : index
    %get3A_4 = vector.load %arg3[%get3A_2, %get3A_3] : memref<128x128xf32, #tpu.memory_space<vmem>>, vector<128x128xf32>
    %dot_general3A = arith.constant dense<0.000000e+00> : vector<1024x128xf32>
    %dot_general3A_5 = tpu.matmul %get3A_1, %get3A_4, %dot_general3A {dimension_numbers = #tpu.dot_dimension_numbers<[1], [0], [0], [1], [0, 0, 1, 1], [], []>, transpose_lhs_hint = false} : vector<1024x128xf32>, vector<128x128xf32>, vector<1024x128xf32> -> vector<1024x128xf32>
    %get3A_6 = arith.constant 0 : index
    %get3A_7 = arith.constant 0 : index
    %get3A_8 = vector.load %arg1[%get3A_6, %get3A_7] : memref<1024x128xf32, #tpu.memory_space<vmem>>, vector<1024x128xf32>
    %get3A_9 = arith.constant 0 : index
    %get3A_10 = arith.constant 0 : index
    %get3A_11 = vector.load %arg4[%get3A_9, %get3A_10] : memref<128x128xf32, #tpu.memory_space<vmem>>, vector<128x128xf32>
    %dot_general3A_12 = arith.constant dense<0.000000e+00> : vector<1024x128xf32>
    %dot_general3A_13 = tpu.matmul %get3A_8, %get3A_11, %dot_general3A_12 {dimension_numbers = #tpu.dot_dimension_numbers<[1], [0], [0], [1], [0, 0, 1, 1], [], []>, transpose_lhs_hint = false} : vector<1024x128xf32>, vector<128x128xf32>, vector<1024x128xf32> -> vector<1024x128xf32>
    %add3A = arith.addf %dot_general3A_5, %dot_general3A_13 : vector<1024x128xf32>
    %get3A_14 = arith.constant 0 : index
    %get3A_15 = arith.constant 0 : index
    %get3A_16 = vector.load %arg5[%get3A_14, %get3A_15] : memref<1x128xf32, #tpu.memory_space<vmem>>, vector<1x128xf32>
    %add3A_17 = vector.broadcast %get3A_16 : vector<1x128xf32> to vector<1024x128xf32>
    %add3A_18 = arith.addf %add3A, %add3A_17 : vector<1024x128xf32>
    %max3A = arith.constant 0.000000e+00 : f32
    %max3A_19 = vector.broadcast %max3A : f32 to vector<1024x128xf32>
    %max3A_20 = arith.maximumf %add3A_18, %max3A_19 : vector<1024x128xf32>
    %get3A_21 = arith.constant 0 : index
    %get3A_22 = arith.constant 0 : index
    %get3A_23 = vector.load %arg6[%get3A_21, %get3A_22] : memref<128x128xf32, #tpu.memory_space<vmem>>, vector<128x128xf32>
    %dot_general3A_24 = arith.constant dense<0.000000e+00> : vector<1024x128xf32>
    %dot_general3A_25 = tpu.matmul %max3A_20, %get3A_23, %dot_general3A_24 {dimension_numbers = #tpu.dot_dimension_numbers<[1], [0], [0], [1], [0, 0, 1, 1], [], []>, transpose_lhs_hint = false} : vector<1024x128xf32>, vector<128x128xf32>, vector<1024x128xf32> -> vector<1024x128xf32>
    %get3A_26 = arith.constant 0 : index
    %get3A_27 = arith.constant 0 : index
    %get3A_28 = vector.load %arg2[%get3A_26, %get3A_27] : memref<1024x128xf32, #tpu.memory_space<vmem>>, vector<1024x128xf32>
    %get3A_29 = arith.constant 0 : index
    %get3A_30 = arith.constant 0 : index
    %get3A_31 = vector.load %arg7[%get3A_29, %get3A_30] : memref<128x128xf32, #tpu.memory_space<vmem>>, vector<128x128xf32>
    %dot_general3A_32 = arith.constant dense<0.000000e+00> : vector<1024x128xf32>
    %dot_general3A_33 = tpu.matmul %get3A_28, %get3A_31, %dot_general3A_32 {dimension_numbers = #tpu.dot_dimension_numbers<[1], [0], [0], [1], [0, 0, 1, 1], [], []>, transpose_lhs_hint = false} : vector<1024x128xf32>, vector<128x128xf32>, vector<1024x128xf32> -> vector<1024x128xf32>
    %add3A_34 = arith.addf %dot_general3A_25, %dot_general3A_33 : vector<1024x128xf32>
    %get3A_35 = arith.constant 0 : index
    %get3A_36 = arith.constant 0 : index
    %get3A_37 = vector.load %arg8[%get3A_35, %get3A_36] : memref<1x128xf32, #tpu.memory_space<vmem>>, vector<1x128xf32>
    %add3A_38 = vector.broadcast %get3A_37 : vector<1x128xf32> to vector<1024x128xf32>
    %add3A_39 = arith.addf %add3A_34, %add3A_38 : vector<1024x128xf32>
    %get3A_40 = arith.constant 0 : index
    %get3A_41 = arith.constant 0 : index
    %get3A_42 = vector.load %arg9[%get3A_40, %get3A_41] : memref<128x40xf32, #tpu.memory_space<vmem>>, vector<128x40xf32>
    %dot_general3A_43 = arith.constant dense<0.000000e+00> : vector<1024x40xf32>
    %dot_general3A_44 = tpu.matmul %add3A_39, %get3A_42, %dot_general3A_43 {dimension_numbers = #tpu.dot_dimension_numbers<[1], [0], [0], [1], [0, 0, 1, 1], [], []>, transpose_lhs_hint = false} : vector<1024x128xf32>, vector<128x40xf32>, vector<1024x40xf32> -> vector<1024x40xf32>
    %get3A_45 = arith.constant 0 : index
    %get3A_46 = arith.constant 0 : index
    %get3A_47 = vector.load %arg10[%get3A_45, %get3A_46] : memref<1x40xf32, #tpu.memory_space<vmem>>, vector<1x40xf32>
    %add3A_48 = vector.broadcast %get3A_47 : vector<1x40xf32> to vector<1024x40xf32>
    %add3A_49 = arith.addf %dot_general3A_44, %add3A_48 : vector<1024x40xf32>
    %swap3A = arith.constant 0 : index
    %swap3A_50 = arith.constant 0 : index
    %swap3A_51 = vector.load %arg11[%swap3A, %swap3A_50] : memref<1024x40xf32, #tpu.memory_space<vmem>>, vector<1024x40xf32>
    tpu.vector_store %arg11[%swap3A, %swap3A_50], %add3A_49 {strides = array<i32>} : memref<1024x40xf32, #tpu.memory_space<vmem>>, vector<1024x40xf32>,
    return
  }
}

</mosaic_0001>

<sc_bundles>
// kernel: kernel.5.cloned.1.call-start
scs
__scs_entry_jumppad:
0x0: {  	(pc) =	sbr.rel $0x88, $3  }
0x1: {  	(tag) =	ssettag $0x0;
	lr =	simm.s32 $0x1  }
0x2: {  	[smem:$0x3F94] =	sst lr;
	_ =	strace $0xD0000000  }
0x3: {  	_ = 	snop  }
0x4: {  	_ = 	snop  }
0x5: {  	_ = 	snop  }
0x6: {  	_ = 	snop  }
0x7: {  	_ = 	snop  }
__scs_overlays_trampoline_lowered:
0x8: {  	[smem:$0x3FA3] =	sst s0  }
0x9: {  	[smem:$0x3FA4] =	sst s1  }
0xa: {  	[smem:$0x3FA5] =	sst s2  }
0xb: {  	[smem:$0x3FA6] =	sst s3  }
0xc: {  	[smem:$0x3FA7] =	sst s4  }
0xd: {  	[smem:$0x3FA8] =	sst s5  }
0xe: {  	[smem:$0x3FA9] =	sst s6  }
0xf: {  	[smem:$0x3FAA] =	sst s7  }
0x10: {  	[smem:$0x3FAB] =	sst s8  }
0x11: {  	[smem:$0x3FAC] =	sst s9;
	s0 =	simm.s32 @!p0 $0x0  }
0x12: {  	s1 =	sld [smem:$0x3F92];
	s0 =	simm.s32 @p0 $0x1  }
0x13: {  	[smem:$0x3FAD] =	sst s0;
	s0 =	simm.s32 @!p1 $0x0  }
0x14: {  	s2 =	sld [smem:$0x3F91];
	s0 =	simm.s32 @p1 $0x1  }
0x15: {  	[smem:$0x3FAE] =	sst s0;
	s0 =	simm.s32 @!p2 $0x0  }
0x16: {  	s3 =	sld [smem:$0x3FDB];
	s0 =	simm.s32 @p2 $0x1  }
0x17: {  	s4 =	simm.s32 $0x1BF5;
	[smem:$0x3FB0] =	sst s0  }
0x18: {  	s0 =	sld [smem:$0x3F93];
	_ =	swait.ge [sflag:s4], $0x0  }
0x19: {  	s7 =	sld [smem:$0x3F94]  }
0x1a: {  	s8 =	sadd.s32 $0xFFFFE003, lr  }
0x1b: {  	s9 =	sadd.s32 $0xFFFFFEF7, lr;
	s5 =	simm.s32 $0xFFFFFFFF;
	p2 =	slt.u32 s8, $0xFFFFF086  }
0x1c: {  	p1 =	slt.u32 s9, $0xF7A;
	s5 =	simm.s32 @!p2 $0x0  }
0x1d: {  	s5 =	simm.s32 @p1 $0x1;
	p0 =	seq.s32 s7, s2  }
0x1e: {  	s7 =	smul.u32 @!p0 $0xF7A, s2;
	p2 =	seq.s32 @!p0 s5, $0x0  }
0x1f: {  	s9 =	smul.u32 $0xF7A, s1;
	s8 =	simm.s32 @!p0 $0x1BF5;
	p2 =	por !p2, p0  }
0x20: {  	[sflag:s8] =	ssyncset.s32 @!p0 $0xFFFFF086;
	s6 =	sadd.s32 @!p0 s3, s7;
	s7 =	simm.s32 @!p0 $0x108  }
0x21: {  	s3 =	sadd.s32 s3, s9;
	s6 =	sadd.s32 @!p0 $0x88, s6;
	s7 =	simm.s32 @p2 $0x1082  }
0x22: {  	[simem:s7], [sflag:s8] =	dma.local @!p0 [hbm:s6], $0xF7A  }
0x23: {  	s9 =	sor.u32 $0xD0000000, s2;
	s6 =	simm.s32 $0x108;
	_ =	swait.ge @!p0 [sflag:s8], $0x0  }
0x24: {  	s3 =	sadd.s32 $0x88, s3;
	s6 =	simm.s32 @!p1 $0x1082;
	[sflag:s4] =	ssyncset.s32 $0xFFFFF086  }
0x25: {  	[simem:s6], [sflag:s4] =	dma.local [hbm:s3], $0xF7A  }
0x26: {  	[smem:$0x3F94] =	sst s1;
	(tag) =	ssettag s2;
	_ =	strace s9  }
0x27: {  	s1 =	sld [smem:$0x3FA4]  }
0x28: {  	s2 =	sld [smem:$0x3FA5]  }
0x29: {  	s4 =	sld [smem:$0x3FA7]  }
0x2a: {  	p0 =	seq.s32 s5, $0x0;
	s5 =	sld [smem:$0x3FA8]  }
0x2b: {  	s6 =	sld [smem:$0x3FA9]  }
0x2c: {  	s7 =	sld [smem:$0x3FAA]  }
0x2d: {  	s3 =	simm.s32 $0x108;
	s8 =	sld [smem:$0x3FAB]  }
0x2e: {  	s3 =	simm.s32 @!p0 $0x1082;
	s9 =	sld [smem:$0x3FAC]  }
0x2f: {  	lr =	sadd.s32 s0, s3;
	s0 =	sld [smem:$0x3FA3]  }
0x30: {  	s3 =	sld [smem:$0x3FA6]  }
0x31: {  	[smem:$0x3FAF] =	sst s10  }
0x32: {  	s10 =	sld [smem:$0x3FAD];
	_ =	sdelay $0x3  }
0x33: {  	p0 =	seq.s32 s10, $0x1;
	s10 =	sld [smem:$0x3FAF];
	_ =	sdelay $0x3  }
0x34: {  	[smem:$0x3FAF] =	sst s10  }
0x35: {  	s10 =	sld [smem:$0x3FAE];
	_ =	sdelay $0x3  }
0x36: {  	p1 =	seq.s32 s10, $0x1;
	s10 =	sld [smem:$0x3FAF];
	_ =	sdelay $0x3  }
0x37: {  	[smem:$0x3FAF] =	sst s10  }
0x38: {  	s10 =	sld [smem:$0x3FB0]  }
0x39: {  	_ = 	snop;
	(pc) =	sbr.ind lr, $3  }
0x3a: {  	_ = 	snop  }
0x3b: {  	_ = 	snop  }
0x3c: {  	p2 =	seq.s32 s10, $0x1;
	s10 =	sld [smem:$0x3FAF]  }
0x3d: {  	_ =	shalt  }
0x3e: {  	_ =	shalt  }
0x3f: {  	_ =	shalt  }
0x40: {  	_ =	shalt  }
0x41: {  	_ =	shalt  }
0x42: {  	_ =	shalt  }
0x43: {  	_ =	shalt  }
0x44: {  	_ =	shalt  }
0x45: {  	_ =	shalt  }
0x46: {  	_ =	shalt  }
0x47: {  	_ =	shalt  }
0x48: {  	_ =	shalt  }
0x49: {  	_ =	shalt  }
0x4a: {  	_ =	shalt  }
0x4b: {  	_ =	shalt  }
0x4c: {  	_ =	shalt  }
0x4d: {  	_ =	shalt  }
0x4e: {  	_ =	shalt  }
0x4f: {  	_ =	shalt  }
0x50: {  	_ =	shalt  }
0x51: {  	_ =	shalt  }
0x52: {  	_ =	shalt  }
0x53: {  	_ =	shalt  }
0x54: {  	_ =	shalt  }
0x55: {  	_ =	shalt  }
0x56: {  	_ =	shalt  }
0x57: {  	_ =	shalt  }
0x58: {  	_ =	shalt  }
0x59: {  	_ =	shalt  }
0x5a: {  	_ =	shalt  }
0x5b: {  	_ =	shalt  }
0x5c: {  	_ =	shalt  }
0x5d: {  	_ =	shalt  }
0x5e: {  	_ =	shalt  }
0x5f: {  	_ =	shalt  }
0x60: {  	_ =	shalt  }
0x61: {  	_ =	shalt  }
0x62: {  	_ =	shalt  }
0x63: {  	_ =	shalt  }
0x64: {  	_ =	shalt  }
0x65: {  	_ =	shalt  }
0x66: {  	_ =	shalt  }
0x67: {  	_ =	shalt  }
0x68: {  	_ =	shalt  }
0x69: {  	_ =	shalt  }
0x6a: {  	_ =	shalt  }
0x6b: {  	_ =	shalt  }
0x6c: {  	_ =	shalt  }
0x6d: {  	_ =	shalt  }
0x6e: {  	_ =	shalt  }
0x6f: {  	_ =	shalt  }
0x70: {  	_ =	shalt  }
0x71: {  	_ =	shalt  }
0x72: {  	_ =	shalt  }
0x73: {  	_ =	shalt  }
0x74: {  	_ =	shalt  }
0x75: {  	_ =	shalt  }
0x76: {  	_ =	shalt  }
0x77: {  	_ =	shalt  }
0x78: {  	_ =	shalt  }
0x79: {  	_ =	shalt  }
0x7a: {  	_ =	shalt  }
0x7b: {  	_ =	shalt  }
0x7c: {  	_ =	shalt  }
0x7d: {  	_ =	shalt  }
0x7e: {  	_ =	shalt  }
0x7f: {  	_ =	shalt  }
0x80: {  	_ =	shalt  }
0x81: {  	_ =	shalt  }
0x82: {  	_ =	shalt  }
0x83: {  	_ =	shalt  }
0x84: {  	_ =	shalt  }
0x85: {  	_ =	shalt  }
0x86: {  	_ =	shalt  }
0x87: {  	_ =	shalt  }
.Lfunc_end0:
.L_simem_size_0:
called_computation_lowered:
.L_overlay_start_0:
0x88: {  	s2 =	sld [smem:$0x3FD9]  }
0x89: {  	s3 =	sld [smem:$0x3FFE];
	_ =	sdelay $0x1  }
0x8a: {  	s1 =	srdreg.scid  }
0x8b: {  	s0 =	sand.u32 $0x1, s1  }
0x8c: {  	s17 =	sshll.u32 s0, $0xA;
	s2 =	sadd.s32 s3, s2  }
0x8d: {  	s2 =	sadd.s32 s2, s17  }
0x8e: {  	[smem:$0x3FBB] =	sst s2  }
0x8f: {  	_ = 	snop  }
0x90: {  	s2 =	sld [smem:$0x3FC7];
	(tm) =	ssettm $0x1  }
0x91: {  	s18 =	sld [smem:$0x3FFB];
	_ =	sdelay $0x3  }
0x92: {  	_ =	strace s18  }
0x93: {  	s3 =	sld [smem:$0x3FFC];
	_ =	sdelay $0x3  }
0x94: {  	_ =	strace s3  }
0x95: {  	s3 =	sld [smem:$0x3FFD];
	_ =	sdelay $0x3  }
0x96: {  	_ =	strace s3  }
0x97: {  	_ =	strace $0x8FFFFFFF  }
0x98: {  	s19 =	sld [smem:$0x3FDB];
	_ =	sdelay $0x1  }
0x99: {  	s4 =	simm.s32 $_scs_section_size  }
0x9a: {  	s5 =	simm.s32 $_size__tile_overlayer_lowered;
	s6 =	simm.s32 $_tile_overlayer_lowered  }
0x9b: {  	s22 =	simm.s32 $0x1BFF;
	s21 =	sshll.u32 s6, $0x1;
	s3 =	sadd.s32 s4, s19  }
0x9c: {  	s7 =	simm.s32 $0x0;
	s20 =	sshll.u32 s5, $0x1;
	s5 =	sadd.s32 s21, s3  }
0x9d: {  	[timem:s7], [sflag:s22] =	dma.local [hbm:s5], s20  }
0x9e: {  	_ =	swait.ge [sflag:s22], s20  }
0x9f: {  	s4 =	ssub.s32 $0x0, s20;
	[sflag:s22] =	ssyncset.done $0x0  }
0xa0: {  	[sflag:s22] =	ssyncadd.s32 s4;
	_ =	sdelay $0x1  }
0xa1: {  	s23 =	simm.s32 $0x1B8B  }
0xa2: {  	_ =	swait.ge [sflag:s23], $0x1  }
0xa3: {  	[sflag:s23] =	ssyncset.done $0x0  }
0xa4: {  	s25 =	simm.s32 $0x1B8E;
	s24 =	sld [smem:$0x3FFE];
	[sflag:s23] =	ssyncadd.s32 $0xFFFFFFFF  }
0xa5: {  	s26 =	simm.s32 $execute0_lowered;
	[smem:$0x3FD2] =	sst s25  }
0xa6: {  	s5 =	sshll.u32 s26, $0x1;
	_ =	strace $0x80000046;
	[dreg:$0x1] =	wrdreg $0xFFFFFFFF  }
0xa7: {  	s28 =	simm.s32 $_size_execute0_lowered;
	s3 =	sadd.s32 s3, s5;
	[dreg:$0x0] =	wrdreg $0x0  }
0xa8: {  	s5 =	sshll.u32 s28, $0x1;
	[dreg:$0x2] =	wrdreg s3  }
0xa9: {  	[dreg:$0x3] =	wrdreg s5  }
0xaa: {  	[dreg:$0x4] =	wrdreg $0xC0  }
0xab: {  	_ =	task [dreg:s7], $0x5FFFF  }
0xac: {  	[dreg:$0x1] =	wrdreg $0xFFFFFFFF  }
0xad: {  	[dreg:$0x0] =	wrdreg $0x60  }
0xae: {  	[dreg:$0x2] =	wrdreg s2  }
0xaf: {  	[dreg:$0x3] =	wrdreg s24  }
0xb0: {  	[dreg:$0x4] =	wrdreg $0x9  }
0xb1: {  	_ =	task.clear_ibuf [dreg:s7], $0x5FFFF;
	_ =	strace $0x90000046  }
0xb2: {  	s29 =	simm.s32 $0x9;
	_ =	strace $0x80000048  }
0xb3: {  	_ =	swait.ge [sflag:s29], $0x1  }
0xb4: {  	[sflag:s29] =	ssyncadd.s32 $0xFFFFFFFF  }
0xb5: {  	_ =	strace $0x90000048  }
0xb6: {  	_ =	sfence  }
0xb7: {  	s30 =	sld [smem:$0x0];
	_ =	sdelay $0x2  }
0xb8: {  	s31 =	sshll.u32 s1, $0xD;
	s1 =	sshrl.u32 s1, $0x2  }
0xb9: {  	s3 =	sand.u32 $0x4000, s31;
	s1 =	sadd.s32 s1, s30  }
0xba: {  	s0 =	sor.u32 s3, s0;
	s1 =	sshll.u32 s1, $0x11  }
0xbb: {  	s0 =	sor.u32 s1, s0  }
0xbc: {  	s0 =	sadd.s32 $0x8F2B, s0  }
0xbd: {  	[sflag:s0] =	ssyncadd.remote.s32 $0x1  }
0xbe: {  	_ =	sfence.sel $0xFFFF  }
0xbf: {  	[dreg:$0x0] =	wrdreg $0xFFFFFFFF;
	(pc) =	sbr.abs _section_cstart, $3  }
0xc0: {  	[dreg:$0x1] =	wrdreg $0xFFFFFFFF  }
0xc1: {  	_ =	task.clear_ibuf [dreg:s7], $0x2FFFF;
	_ =	strace $0x9FFFFFFF  }
0xc2: {  	(tm) =	ssettm $0x7FFFFFFF  }
0xc3: {  	_ =	shalt  }
tec
execute0_lowered:
.L_overlay_start_1:
0x0: {  	(tag) =	ssettag $0x1  }
0x1: {  	s3 =	rddreg [dreg:$0x0]  }
0x2: {  	s4 =	rddreg [dreg:$0x1]  }
0x3: {  	s0 =	rddreg [dreg:$0x2]  }
0x4: {  	s2 =	simm.s32 $0x0;
	s5 =	srdreg.scid;
	s1 =	stileid.u32  }
0x5: {  	s9 =	simm.s32 $0x10000;
	s10 =	simm.s32 $0x3;
	s11 =	simm.s32 $0x2  }
0x6: {  	s12 =	simm.s32 $0x0;
	s5 =	sand.u32 $0x1, s5;
	s6 =	sshll.u32 s1, $0x1  }
0x7: {  	[smem:$0x7FF] =	sst s2;
	s6 =	sor.u32 s5, s6;
	s5 =	ssub.s32 $0x2, s5  }
0x8: {  	_ =	strace $0x80000047;
	s7 =	sshll.u32 s6, $0xD;
	s8 =	sshrl.u32 s5, $0x1  }
0x9: {  	s6 =	sshll.u32 s6, $0x11;
	s4 =	sadd.s32 s7, s4;
	s31 =	ssub.s32 s5, s8  }
0xa: {  	s3 =	sadd.s32 s3, s6;
	s7 =	simm.s32 $0x8000;
	s8 =	simm.s32 $0x1  }
0xb: {  	s4 =	sadd.s32 $0x2400, s4;
	s5 =	sadd.s32 $0x2000, s3;
	s6 =	smax.u32 s31, $0x1  }
.LBB2_1:
0xc: {  	[tilespmem:s2], [sflag:$0x1] =	stream.linear.gather [hbm4b:s3+s2], $0x8000, $0x38;
	[tilespmem:$0x10800] =	vst v63  }
0xd: {  	s13 =	simm.s32 $0x0  }
.LBB2_2:
0xe: {  	s14 =	sshllo.u32 s13, $0x1  }
0xf: {  	s15 =	sshll.u32 s14, $0xC  }
0x10: {  	s16 =	sadd.s32 s15, s3;
	s15 =	simm.s32 $0x0  }
0x11: {  	[tilespmem:s7], [sflag:$0x2] =	stream.linear.gather [hbm4b:s16+s15], $0x8000, $0x38;
	[tilespmem:$0x10800] =	vst v63  }
0x12: {  	_ =	swait.ge [sflag:s8], $0x8000  }
0x13: {  	[sflag:s8] =	ssyncset.done $0x0  }
0x14: {  	s16 =	simm.s32 $0x400;
	[sflag:s8] =	ssyncadd.s32 $0xFFFF8000  }
.LBB2_3:
0x15: {  	v0 =	vld [tilespmem:s16+$0xFFFFFC00]  }
0x16: {  	v1 =	vld [tilespmem:s16+$0xFFFFFC80]  }
0x17: {  	v2 =	vld [tilespmem:s16+$0xFFFFFD00]  }
0x18: {  	v3 =	vld [tilespmem:s16+$0xFFFFFD80]  }
0x19: {  	v4 =	vld [tilespmem:s16+$0xFFFFFE00]  }
0x1a: {  	v5 =	vld [tilespmem:s16+$0xFFFFFE80]  }
0x1b: {  	v6 =	vld [tilespmem:s16+$0xFFFFFF00]  }
0x1c: {  	v7 =	vld [tilespmem:s16+$0xFFFFFF80]  }
0x1d: {  	v8 =	vld [tilespmem:s16+$0x0]  }
0x1e: {  	v9 =	vld [tilespmem:s16+$0x80]  }
0x1f: {  	v10 =	vld [tilespmem:s16+$0x100]  }
0x20: {  	v11 =	vld [tilespmem:s16+$0x180]  }
0x21: {  	v12 =	vld [tilespmem:s16+$0x200]  }
0x22: {  	v13 =	vld [tilespmem:s16+$0x280]  }
0x23: {  	v14 =	vld [tilespmem:s16+$0x300]  }
0x24: {  	v15 =	vld [tilespmem:s16+$0x380];
	_ =	sdelay $0x1  }
0x25: {  	v0 =	vadd.f32 v1, v0;
	v61 =	vadd.f32 v3, v2  }
0x26: {  	v62 =	vadd.f32 v5, v4;
	v63 =	vadd.f32 v7, v6  }
0x27: {  	v9 =	vadd.f32 v9, v8;
	v11 =	vadd.f32 v11, v10  }
0x28: {  	v16 =	vadd.f32 v13, v12;
	v17 =	vadd.f32 v15, v14  }
0x29: {  	v0 =	vadd.f32 v61, v0;
	v18 =	vadd.f32 v63, v62  }
0x2a: {  	v19 =	vadd.f32 v11, v9;
	v20 =	vadd.f32 v17, v16;
	_ =	sdelay $0x1  }
0x2b: {  	v0 =	vadd.f32 v18, v0;
	v21 =	vadd.f32 v20, v19;
	_ =	sdelay $0x1  }
0x2c: {  	v0 =	vadd.f32 v21, v0  }
0x2d: {  	s17 =	sshra.s32 s15, $0x2  }
0x2e: {  	[tilespmem:s17+$0x10000] =	vst v0  }
0x2f: {  	v0 =	vld [tilespmem:s16+$0xFFFFFC10]  }
0x30: {  	v22 =	vld [tilespmem:s16+$0xFFFFFC90]  }
0x31: {  	v23 =	vld [tilespmem:s16+$0xFFFFFD10]  }
0x32: {  	v24 =	vld [tilespmem:s16+$0xFFFFFD90]  }
0x33: {  	v25 =	vld [tilespmem:s16+$0xFFFFFE10]  }
0x34: {  	v26 =	vld [tilespmem:s16+$0xFFFFFE90]  }
0x35: {  	v27 =	vld [tilespmem:s16+$0xFFFFFF10]  }
0x36: {  	v28 =	vld [tilespmem:s16+$0xFFFFFF90]  }
0x37: {  	v29 =	vld [tilespmem:s16+$0x10]  }
0x38: {  	v30 =	vld [tilespmem:s16+$0x90]  }
0x39: {  	v31 =	vld [tilespmem:s16+$0x110]  }
0x3a: {  	v32 =	vld [tilespmem:s16+$0x190]  }
0x3b: {  	v33 =	vld [tilespmem:s16+$0x210]  }
0x3c: {  	v34 =	vld [tilespmem:s16+$0x290]  }
0x3d: {  	v35 =	vld [tilespmem:s16+$0x310]  }
0x3e: {  	v36 =	vld [tilespmem:s16+$0x390];
	_ =	sdelay $0x1  }
0x3f: {  	v0 =	vadd.f32 v22, v0;
	v37 =	vadd.f32 v24, v23  }
0x40: {  	v38 =	vadd.f32 v26, v25;
	v39 =	vadd.f32 v28, v27  }
0x41: {  	v40 =	vadd.f32 v30, v29;
	v41 =	vadd.f32 v32, v31  }
0x42: {  	v42 =	vadd.f32 v34, v33;
	v43 =	vadd.f32 v36, v35  }
0x43: {  	v0 =	vadd.f32 v37, v0;
	v44 =	vadd.f32 v39, v38  }
0x44: {  	v45 =	vadd.f32 v41, v40;
	v46 =	vadd.f32 v43, v42;
	_ =	sdelay $0x1  }
0x45: {  	v0 =	vadd.f32 v44, v0;
	v47 =	vadd.f32 v46, v45;
	_ =	sdelay $0x1  }
0x46: {  	v0 =	vadd.f32 v47, v0;
	_ =	sdelay $0x1  }
0x47: {  	[tilespmem:s17+$0x10010] =	vst v0  }
0x48: {  	v0 =	vld [tilespmem:s16+$0xFFFFFC20]  }
0x49: {  	v48 =	vld [tilespmem:s16+$0xFFFFFCA0]  }
0x4a: {  	v49 =	vld [tilespmem:s16+$0xFFFFFD20]  }
0x4b: {  	v50 =	vld [tilespmem:s16+$0xFFFFFDA0]  }
0x4c: {  	v51 =	vld [tilespmem:s16+$0xFFFFFE20]  }
0x4d: {  	v52 =	vld [tilespmem:s16+$0xFFFFFEA0]  }
0x4e: {  	v53 =	vld [tilespmem:s16+$0xFFFFFF20]  }
0x4f: {  	v54 =	vld [tilespmem:s16+$0xFFFFFFA0]  }
0x50: {  	v55 =	vld [tilespmem:s16+$0x20]  }
0x51: {  	v56 =	vld [tilespmem:s16+$0xA0]  }
0x52: {  	v57 =	vld [tilespmem:s16+$0x120]  }
0x53: {  	v58 =	vld [tilespmem:s16+$0x1A0]  }
0x54: {  	v59 =	vld [tilespmem:s16+$0x220]  }
0x55: {  	v60 =	vld [tilespmem:s16+$0x2A0]  }
0x56: {  	v61 =	vld [tilespmem:s16+$0x320]  }
0x57: {  	v62 =	vld [tilespmem:s16+$0x3A0];
	_ =	sdelay $0x1  }
0x58: {  	v0 =	vadd.f32 v48, v0;
	v63 =	vadd.f32 v50, v49  }
0x59: {  	v16 =	vadd.f32 v52, v51;
	v17 =	vadd.f32 v54, v53  }
0x5a: {  	v18 =	vadd.f32 v56, v55;
	v19 =	vadd.f32 v58, v57  }
0x5b: {  	v20 =	vadd.f32 v60, v59;
	v21 =	vadd.f32 v62, v61  }
0x5c: {  	v0 =	vadd.f32 v63, v0;
	v22 =	vadd.f32 v17, v16  }
0x5d: {  	v23 =	vadd.f32 v19, v18;
	v24 =	vadd.f32 v21, v20;
	_ =	sdelay $0x1  }
0x5e: {  	v0 =	vadd.f32 v22, v0;
	v25 =	vadd.f32 v24, v23;
	_ =	sdelay $0x1  }
0x5f: {  	v0 =	vadd.f32 v25, v0;
	_ =	sdelay $0x1  }
0x60: {  	[tilespmem:s17+$0x10020] =	vst v0  }
0x61: {  	v0 =	vld [tilespmem:s16+$0xFFFFFC30]  }
0x62: {  	v26 =	vld [tilespmem:s16+$0xFFFFFCB0]  }
0x63: {  	v27 =	vld [tilespmem:s16+$0xFFFFFD30]  }
0x64: {  	v28 =	vld [tilespmem:s16+$0xFFFFFDB0]  }
0x65: {  	v29 =	vld [tilespmem:s16+$0xFFFFFE30]  }
0x66: {  	v30 =	vld [tilespmem:s16+$0xFFFFFEB0]  }
0x67: {  	v31 =	vld [tilespmem:s16+$0xFFFFFF30]  }
0x68: {  	v32 =	vld [tilespmem:s16+$0xFFFFFFB0]  }
0x69: {  	v33 =	vld [tilespmem:s16+$0x30]  }
0x6a: {  	v34 =	vld [tilespmem:s16+$0xB0]  }
0x6b: {  	v35 =	vld [tilespmem:s16+$0x130]  }
0x6c: {  	v36 =	vld [tilespmem:s16+$0x1B0]  }
0x6d: {  	v37 =	vld [tilespmem:s16+$0x230]  }
0x6e: {  	v38 =	vld [tilespmem:s16+$0x2B0]  }
0x6f: {  	v39 =	vld [tilespmem:s16+$0x330]  }
0x70: {  	v40 =	vld [tilespmem:s16+$0x3B0];
	_ =	sdelay $0x1  }
0x71: {  	v0 =	vadd.f32 v26, v0;
	v41 =	vadd.f32 v28, v27  }
0x72: {  	v42 =	vadd.f32 v30, v29;
	v43 =	vadd.f32 v32, v31  }
0x73: {  	v44 =	vadd.f32 v34, v33;
	v45 =	vadd.f32 v36, v35  }
0x74: {  	v46 =	vadd.f32 v38, v37;
	v47 =	vadd.f32 v40, v39  }
0x75: {  	v0 =	vadd.f32 v41, v0;
	v48 =	vadd.f32 v43, v42  }
0x76: {  	v49 =	vadd.f32 v45, v44;
	v50 =	vadd.f32 v47, v46;
	_ =	sdelay $0x1  }
0x77: {  	v0 =	vadd.f32 v48, v0;
	v51 =	vadd.f32 v50, v49;
	_ =	sdelay $0x1  }
0x78: {  	v0 =	vadd.f32 v51, v0;
	_ =	sdelay $0x1  }
0x79: {  	[tilespmem:s17+$0x10030] =	vst v0  }
0x7a: {  	v0 =	vld [tilespmem:s16+$0xFFFFFC40]  }
0x7b: {  	v52 =	vld [tilespmem:s16+$0xFFFFFCC0]  }
0x7c: {  	v53 =	vld [tilespmem:s16+$0xFFFFFD40]  }
0x7d: {  	v54 =	vld [tilespmem:s16+$0xFFFFFDC0]  }
0x7e: {  	v55 =	vld [tilespmem:s16+$0xFFFFFE40]  }
0x7f: {  	v56 =	vld [tilespmem:s16+$0xFFFFFEC0]  }
0x80: {  	v57 =	vld [tilespmem:s16+$0xFFFFFF40]  }
0x81: {  	v58 =	vld [tilespmem:s16+$0xFFFFFFC0]  }
0x82: {  	v59 =	vld [tilespmem:s16+$0x40]  }
0x83: {  	v60 =	vld [tilespmem:s16+$0xC0]  }
0x84: {  	v61 =	vld [tilespmem:s16+$0x140]  }
0x85: {  	v62 =	vld [tilespmem:s16+$0x1C0]  }
0x86: {  	v63 =	vld [tilespmem:s16+$0x240]  }
0x87: {  	v18 =	vld [tilespmem:s16+$0x2C0]  }
0x88: {  	v19 =	vld [tilespmem:s16+$0x340]  }
0x89: {  	v20 =	vld [tilespmem:s16+$0x3C0];
	_ =	sdelay $0x1  }
0x8a: {  	v0 =	vadd.f32 v52, v0;
	v21 =	vadd.f32 v54, v53  }
0x8b: {  	v22 =	vadd.f32 v56, v55;
	v23 =	vadd.f32 v58, v57  }
0x8c: {  	v24 =	vadd.f32 v60, v59;
	v25 =	vadd.f32 v62, v61  }
0x8d: {  	v26 =	vadd.f32 v18, v63;
	v27 =	vadd.f32 v20, v19  }
0x8e: {  	v0 =	vadd.f32 v21, v0;
	v28 =	vadd.f32 v23, v22  }
0x8f: {  	v29 =	vadd.f32 v25, v24;
	v30 =	vadd.f32 v27, v26;
	_ =	sdelay $0x1  }
0x90: {  	v0 =	vadd.f32 v28, v0;
	v31 =	vadd.f32 v30, v29;
	_ =	sdelay $0x1  }
0x91: {  	v0 =	vadd.f32 v31, v0;
	_ =	sdelay $0x1  }
0x92: {  	[tilespmem:s17+$0x10040] =	vst v0  }
0x93: {  	v0 =	vld [tilespmem:s16+$0xFFFFFC50]  }
0x94: {  	v32 =	vld [tilespmem:s16+$0xFFFFFCD0]  }
0x95: {  	v33 =	vld [tilespmem:s16+$0xFFFFFD50]  }
0x96: {  	v34 =	vld [tilespmem:s16+$0xFFFFFDD0]  }
0x97: {  	v35 =	vld [tilespmem:s16+$0xFFFFFE50]  }
0x98: {  	v36 =	vld [tilespmem:s16+$0xFFFFFED0]  }
0x99: {  	v37 =	vld [tilespmem:s16+$0xFFFFFF50]  }
0x9a: {  	v38 =	vld [tilespmem:s16+$0xFFFFFFD0]  }
0x9b: {  	v39 =	vld [tilespmem:s16+$0x50]  }
0x9c: {  	v40 =	vld [tilespmem:s16+$0xD0]  }
0x9d: {  	v41 =	vld [tilespmem:s16+$0x150]  }
0x9e: {  	v42 =	vld [tilespmem:s16+$0x1D0]  }
0x9f: {  	v43 =	vld [tilespmem:s16+$0x250]  }
0xa0: {  	v44 =	vld [tilespmem:s16+$0x2D0]  }
0xa1: {  	v45 =	vld [tilespmem:s16+$0x350]  }
0xa2: {  	v46 =	vld [tilespmem:s16+$0x3D0];
	_ =	sdelay $0x1  }
0xa3: {  	v0 =	vadd.f32 v32, v0;
	v47 =	vadd.f32 v34, v33  }
0xa4: {  	v48 =	vadd.f32 v36, v35;
	v49 =	vadd.f32 v38, v37  }
0xa5: {  	v50 =	vadd.f32 v40, v39;
	v51 =	vadd.f32 v42, v41  }
0xa6: {  	v52 =	vadd.f32 v44, v43;
	v53 =	vadd.f32 v46, v45  }
0xa7: {  	v0 =	vadd.f32 v47, v0;
	v54 =	vadd.f32 v49, v48  }
0xa8: {  	v55 =	vadd.f32 v51, v50;
	v56 =	vadd.f32 v53, v52;
	_ =	sdelay $0x1  }
0xa9: {  	v0 =	vadd.f32 v54, v0;
	v57 =	vadd.f32 v56, v55;
	_ =	sdelay $0x1  }
0xaa: {  	v0 =	vadd.f32 v57, v0;
	_ =	sdelay $0x1  }
0xab: {  	[tilespmem:s17+$0x10050] =	vst v0  }
0xac: {  	v0 =	vld [tilespmem:s16+$0xFFFFFC60]  }
0xad: {  	v58 =	vld [tilespmem:s16+$0xFFFFFCE0]  }
0xae: {  	v59 =	vld [tilespmem:s16+$0xFFFFFD60]  }
0xaf: {  	v60 =	vld [tilespmem:s16+$0xFFFFFDE0]  }
0xb0: {  	v61 =	vld [tilespmem:s16+$0xFFFFFE60]  }
0xb1: {  	v62 =	vld [tilespmem:s16+$0xFFFFFEE0]  }
0xb2: {  	v63 =	vld [tilespmem:s16+$0xFFFFFF60]  }
0xb3: {  	v18 =	vld [tilespmem:s16+$0xFFFFFFE0]  }
0xb4: {  	v19 =	vld [tilespmem:s16+$0x60]  }
0xb5: {  	v20 =	vld [tilespmem:s16+$0xE0]  }
0xb6: {  	v21 =	vld [tilespmem:s16+$0x160]  }
0xb7: {  	v22 =	vld [tilespmem:s16+$0x1E0]  }
0xb8: {  	v23 =	vld [tilespmem:s16+$0x260]  }
0xb9: {  	v24 =	vld [tilespmem:s16+$0x2E0]  }
0xba: {  	v25 =	vld [tilespmem:s16+$0x360]  }
0xbb: {  	v26 =	vld [tilespmem:s16+$0x3E0];
	_ =	sdelay $0x1  }
0xbc: {  	v0 =	vadd.f32 v58, v0;
	v27 =	vadd.f32 v60, v59  }
0xbd: {  	v28 =	vadd.f32 v62, v61;
	v29 =	vadd.f32 v18, v63  }
0xbe: {  	v30 =	vadd.f32 v20, v19;
	v31 =	vadd.f32 v22, v21  }
0xbf: {  	v32 =	vadd.f32 v24, v23;
	v33 =	vadd.f32 v26, v25  }
0xc0: {  	v0 =	vadd.f32 v27, v0;
	v34 =	vadd.f32 v29, v28  }
0xc1: {  	v35 =	vadd.f32 v31, v30;
	v36 =	vadd.f32 v33, v32;
	_ =	sdelay $0x1  }
0xc2: {  	v0 =	vadd.f32 v34, v0;
	v37 =	vadd.f32 v36, v35;
	_ =	sdelay $0x1  }
0xc3: {  	v0 =	vadd.f32 v37, v0;
	_ =	sdelay $0x1  }
0xc4: {  	[tilespmem:s17+$0x10060] =	vst v0  }
0xc5: {  	v0 =	vld [tilespmem:s16+$0xFFFFFC70]  }
0xc6: {  	v38 =	vld [tilespmem:s16+$0xFFFFFCF0]  }
0xc7: {  	v39 =	vld [tilespmem:s16+$0xFFFFFD70]  }
0xc8: {  	v40 =	vld [tilespmem:s16+$0xFFFFFDF0]  }
0xc9: {  	v41 =	vld [tilespmem:s16+$0xFFFFFE70]  }
0xca: {  	v42 =	vld [tilespmem:s16+$0xFFFFFEF0]  }
0xcb: {  	v43 =	vld [tilespmem:s16+$0xFFFFFF70]  }
0xcc: {  	v44 =	vld [tilespmem:s16+$0xFFFFFFF0]  }
0xcd: {  	v45 =	vld [tilespmem:s16+$0x70]  }
0xce: {  	v46 =	vld [tilespmem:s16+$0xF0]  }
0xcf: {  	v47 =	vld [tilespmem:s16+$0x170]  }
0xd0: {  	v48 =	vld [tilespmem:s16+$0x1F0]  }
0xd1: {  	v49 =	vld [tilespmem:s16+$0x270]  }
0xd2: {  	v50 =	vld [tilespmem:s16+$0x2F0]  }
0xd3: {  	v51 =	vld [tilespmem:s16+$0x370]  }
0xd4: {  	v52 =	vld [tilespmem:s16+$0x3F0];
	_ =	sdelay $0x1  }
0xd5: {  	v0 =	vadd.f32 v38, v0;
	v53 =	vadd.f32 v40, v39  }
0xd6: {  	v54 =	vadd.f32 v42, v41;
	v55 =	vadd.f32 v44, v43  }
0xd7: {  	v56 =	vadd.f32 v46, v45;
	v57 =	vadd.f32 v48, v47  }
0xd8: {  	v58 =	vadd.f32 v50, v49;
	v59 =	vadd.f32 v52, v51  }
0xd9: {  	v0 =	vadd.f32 v53, v0;
	v60 =	vadd.f32 v55, v54  }
0xda: {  	v61 =	vadd.f32 v57, v56;
	v62 =	vadd.f32 v59, v58  }
0xdb: {  	p0 =	sne.s32 s15, $0x1E00  }
.Ltmp0:
0xdc: {  	v0 =	vadd.f32 v60, v0;
	v63 =	vadd.f32 v62, v61;
	(pc) =	sbr.rel @p0 .LBB2_3-.Ltmp0, $3  }
0xdd: {  	_ = 	snop  }
0xde: {  	v0 =	vadd.f32 v63, v0;
	_ =	sdelay $0x1  }
0xdf: {  	s15 =	sadd.s32 $0x200, s15;
	s16 =	sadd.s32 $0x800, s16;
	[tilespmem:s17+$0x10070] =	vst v0  }
0xe0: {  	s15 =	sshll.u32 s13, $0x9  }
0xe1: {  	s15 =	sadd.s32 s15, s4  }
0xe2: {  	[hbm4b:s15+s2] =	stream.linear.scatter [tilespmem:s9], [sflag:$0x3], $0x800, $0x38;
	[tilespmem:$0x10800] =	vst v63  }
0xe3: {  	p0 =	seq.s32 s13, $0xF;
	_ =	swait.ge [sflag:s10], $0x800  }
0xe4: {  	s15 =	sshll.u32 @!p0 s13, $0xD;
	[sflag:s10] =	ssyncset.done $0x0  }
0xe5: {  	s16 =	simm.s32 @!p0 $0x0;
	s15 =	sadd.s32 @!p0 s15, s5;
	[sflag:s10] =	ssyncadd.s32 $0xFFFFF800  }
0xe6: {  	[tilespmem:s16], [sflag:$0x1] =	stream.linear.gather @!p0 [hbm4b:s15+s16], $0x8000, $0x38;
	[tilespmem:$0x10800] =	vst v63  }
0xe7: {  	_ =	swait.ge [sflag:s11], $0x8000  }
0xe8: {  	[sflag:s11] =	ssyncset.done $0x0  }
0xe9: {  	s15 =	simm.s32 $0x0;
	s16 =	simm.s32 $0x8400;
	[sflag:s11] =	ssyncadd.s32 $0xFFFF8000  }
.LBB2_5:
0xea: {  	v0 =	vld [tilespmem:s16+$0xFFFFFC00]  }
0xeb: {  	v1 =	vld [tilespmem:s16+$0xFFFFFC80]  }
0xec: {  	v2 =	vld [tilespmem:s16+$0xFFFFFD00]  }
0xed: {  	v3 =	vld [tilespmem:s16+$0xFFFFFD80]  }
0xee: {  	v4 =	vld [tilespmem:s16+$0xFFFFFE00]  }
0xef: {  	v5 =	vld [tilespmem:s16+$0xFFFFFE80]  }
0xf0: {  	v6 =	vld [tilespmem:s16+$0xFFFFFF00]  }
0xf1: {  	v7 =	vld [tilespmem:s16+$0xFFFFFF80]  }
0xf2: {  	v8 =	vld [tilespmem:s16+$0x0]  }
0xf3: {  	v9 =	vld [tilespmem:s16+$0x80]  }
0xf4: {  	v10 =	vld [tilespmem:s16+$0x100]  }
0xf5: {  	v11 =	vld [tilespmem:s16+$0x180]  }
0xf6: {  	v12 =	vld [tilespmem:s16+$0x200]  }
0xf7: {  	v13 =	vld [tilespmem:s16+$0x280]  }
0xf8: {  	v14 =	vld [tilespmem:s16+$0x300]  }
0xf9: {  	v15 =	vld [tilespmem:s16+$0x380];
	_ =	sdelay $0x1  }
0xfa: {  	v0 =	vadd.f32 v1, v0;
	v61 =	vadd.f32 v3, v2  }
0xfb: {  	v62 =	vadd.f32 v5, v4;
	v63 =	vadd.f32 v7, v6  }
0xfc: {  	v9 =	vadd.f32 v9, v8;
	v11 =	vadd.f32 v11, v10  }
0xfd: {  	v16 =	vadd.f32 v13, v12;
	v17 =	vadd.f32 v15, v14  }
0xfe: {  	v0 =	vadd.f32 v61, v0;
	v18 =	vadd.f32 v63, v62  }
0xff: {  	v19 =	vadd.f32 v11, v9;
	v20 =	vadd.f32 v17, v16;
	_ =	sdelay $0x1  }
0x100: {  	v0 =	vadd.f32 v18, v0;
	v21 =	vadd.f32 v20, v19;
	_ =	sdelay $0x1  }
0x101: {  	v0 =	vadd.f32 v21, v0  }
0x102: {  	s17 =	sshra.s32 s15, $0x2  }
0x103: {  	[tilespmem:s17+$0x10000] =	vst v0  }
0x104: {  	v0 =	vld [tilespmem:s16+$0xFFFFFC10]  }
0x105: {  	v22 =	vld [tilespmem:s16+$0xFFFFFC90]  }
0x106: {  	v23 =	vld [tilespmem:s16+$0xFFFFFD10]  }
0x107: {  	v24 =	vld [tilespmem:s16+$0xFFFFFD90]  }
0x108: {  	v25 =	vld [tilespmem:s16+$0xFFFFFE10]  }
0x109: {  	v26 =	vld [tilespmem:s16+$0xFFFFFE90]  }
0x10a: {  	v27 =	vld [tilespmem:s16+$0xFFFFFF10]  }
0x10b: {  	v28 =	vld [tilespmem:s16+$0xFFFFFF90]  }
0x10c: {  	v29 =	vld [tilespmem:s16+$0x10]  }
0x10d: {  	v30 =	vld [tilespmem:s16+$0x90]  }
0x10e: {  	v31 =	vld [tilespmem:s16+$0x110]  }
0x10f: {  	v32 =	vld [tilespmem:s16+$0x190]  }
0x110: {  	v33 =	vld [tilespmem:s16+$0x210]  }
0x111: {  	v34 =	vld [tilespmem:s16+$0x290]  }
0x112: {  	v35 =	vld [tilespmem:s16+$0x310]  }
0x113: {  	v36 =	vld [tilespmem:s16+$0x390];
	_ =	sdelay $0x1  }
0x114: {  	v0 =	vadd.f32 v22, v0;
	v37 =	vadd.f32 v24, v23  }
0x115: {  	v38 =	vadd.f32 v26, v25;
	v39 =	vadd.f32 v28, v27  }
0x116: {  	v40 =	vadd.f32 v30, v29;
	v41 =	vadd.f32 v32, v31  }
0x117: {  	v42 =	vadd.f32 v34, v33;
	v43 =	vadd.f32 v36, v35  }
0x118: {  	v0 =	vadd.f32 v37, v0;
	v44 =	vadd.f32 v39, v38  }
0x119: {  	v45 =	vadd.f32 v41, v40;
	v46 =	vadd.f32 v43, v42;
	_ =	sdelay $0x1  }
0x11a: {  	v0 =	vadd.f32 v44, v0;
	v47 =	vadd.f32 v46, v45;
	_ =	sdelay $0x1  }
0x11b: {  	v0 =	vadd.f32 v47, v0;
	_ =	sdelay $0x1  }
0x11c: {  	[tilespmem:s17+$0x10010] =	vst v0  }
0x11d: {  	v0 =	vld [tilespmem:s16+$0xFFFFFC20]  }
0x11e: {  	v48 =	vld [tilespmem:s16+$0xFFFFFCA0]  }
0x11f: {  	v49 =	vld [tilespmem:s16+$0xFFFFFD20]  }
0x120: {  	v50 =	vld [tilespmem:s16+$0xFFFFFDA0]  }
0x121: {  	v51 =	vld [tilespmem:s16+$0xFFFFFE20]  }
0x122: {  	v52 =	vld [tilespmem:s16+$0xFFFFFEA0]  }
0x123: {  	v53 =	vld [tilespmem:s16+$0xFFFFFF20]  }
0x124: {  	v54 =	vld [tilespmem:s16+$0xFFFFFFA0]  }
0x125: {  	v55 =	vld [tilespmem:s16+$0x20]  }
0x126: {  	v56 =	vld [tilespmem:s16+$0xA0]  }
0x127: {  	v57 =	vld [tilespmem:s16+$0x120]  }
0x128: {  	v58 =	vld [tilespmem:s16+$0x1A0]  }
0x129: {  	v59 =	vld [tilespmem:s16+$0x220]  }
0x12a: {  	v60 =	vld [tilespmem:s16+$0x2A0]  }
0x12b: {  	v61 =	vld [tilespmem:s16+$0x320]  }
0x12c: {  	v62 =	vld [tilespmem:s16+$0x3A0];
	_ =	sdelay $0x1  }
0x12d: {  	v0 =	vadd.f32 v48, v0;
	v63 =	vadd.f32 v50, v49  }
0x12e: {  	v16 =	vadd.f32 v52, v51;
	v17 =	vadd.f32 v54, v53  }
0x12f: {  	v18 =	vadd.f32 v56, v55;
	v19 =	vadd.f32 v58, v57  }
0x130: {  	v20 =	vadd.f32 v60, v59;
	v21 =	vadd.f32 v62, v61  }
0x131: {  	v0 =	vadd.f32 v63, v0;
	v22 =	vadd.f32 v17, v16  }
0x132: {  	v23 =	vadd.f32 v19, v18;
	v24 =	vadd.f32 v21, v20;
	_ =	sdelay $0x1  }
0x133: {  	v0 =	vadd.f32 v22, v0;
	v25 =	vadd.f32 v24, v23;
	_ =	sdelay $0x1  }
0x134: {  	v0 =	vadd.f32 v25, v0;
	_ =	sdelay $0x1  }
0x135: {  	[tilespmem:s17+$0x10020] =	vst v0  }
0x136: {  	v0 =	vld [tilespmem:s16+$0xFFFFFC30]  }
0x137: {  	v26 =	vld [tilespmem:s16+$0xFFFFFCB0]  }
0x138: {  	v27 =	vld [tilespmem:s16+$0xFFFFFD30]  }
0x139: {  	v28 =	vld [tilespmem:s16+$0xFFFFFDB0]  }
0x13a: {  	v29 =	vld [tilespmem:s16+$0xFFFFFE30]  }
0x13b: {  	v30 =	vld [tilespmem:s16+$0xFFFFFEB0]  }
0x13c: {  	v31 =	vld [tilespmem:s16+$0xFFFFFF30]  }
0x13d: {  	v32 =	vld [tilespmem:s16+$0xFFFFFFB0]  }
0x13e: {  	v33 =	vld [tilespmem:s16+$0x30]  }
0x13f: {  	v34 =	vld [tilespmem:s16+$0xB0]  }
0x140: {  	v35 =	vld [tilespmem:s16+$0x130]  }
0x141: {  	v36 =	vld [tilespmem:s16+$0x1B0]  }
0x142: {  	v37 =	vld [tilespmem:s16+$0x230]  }
0x143: {  	v38 =	vld [tilespmem:s16+$0x2B0]  }
0x144: {  	v39 =	vld [tilespmem:s16+$0x330]  }
0x145: {  	v40 =	vld [tilespmem:s16+$0x3B0];
	_ =	sdelay $0x1  }
0x146: {  	v0 =	vadd.f32 v26, v0;
	v41 =	vadd.f32 v28, v27  }
0x147: {  	v42 =	vadd.f32 v30, v29;
	v43 =	vadd.f32 v32, v31  }
0x148: {  	v44 =	vadd.f32 v34, v33;
	v45 =	vadd.f32 v36, v35  }
0x149: {  	v46 =	vadd.f32 v38, v37;
	v47 =	vadd.f32 v40, v39  }
0x14a: {  	v0 =	vadd.f32 v41, v0;
	v48 =	vadd.f32 v43, v42  }
0x14b: {  	v49 =	vadd.f32 v45, v44;
	v50 =	vadd.f32 v47, v46;
	_ =	sdelay $0x1  }
0x14c: {  	v0 =	vadd.f32 v48, v0;
	v51 =	vadd.f32 v50, v49;
	_ =	sdelay $0x1  }
0x14d: {  	v0 =	vadd.f32 v51, v0;
	_ =	sdelay $0x1  }
0x14e: {  	[tilespmem:s17+$0x10030] =	vst v0  }
0x14f: {  	v0 =	vld [tilespmem:s16+$0xFFFFFC40]  }
0x150: {  	v52 =	vld [tilespmem:s16+$0xFFFFFCC0]  }
0x151: {  	v53 =	vld [tilespmem:s16+$0xFFFFFD40]  }
0x152: {  	v54 =	vld [tilespmem:s16+$0xFFFFFDC0]  }
0x153: {  	v55 =	vld [tilespmem:s16+$0xFFFFFE40]  }
0x154: {  	v56 =	vld [tilespmem:s16+$0xFFFFFEC0]  }
0x155: {  	v57 =	vld [tilespmem:s16+$0xFFFFFF40]  }
0x156: {  	v58 =	vld [tilespmem:s16+$0xFFFFFFC0]  }
0x157: {  	v59 =	vld [tilespmem:s16+$0x40]  }
0x158: {  	v60 =	vld [tilespmem:s16+$0xC0]  }
0x159: {  	v61 =	vld [tilespmem:s16+$0x140]  }
0x15a: {  	v62 =	vld [tilespmem:s16+$0x1C0]  }
0x15b: {  	v63 =	vld [tilespmem:s16+$0x240]  }
0x15c: {  	v18 =	vld [tilespmem:s16+$0x2C0]  }
0x15d: {  	v19 =	vld [tilespmem:s16+$0x340]  }
0x15e: {  	v20 =	vld [tilespmem:s16+$0x3C0];
	_ =	sdelay $0x1  }
0x15f: {  	v0 =	vadd.f32 v52, v0;
	v21 =	vadd.f32 v54, v53  }
0x160: {  	v22 =	vadd.f32 v56, v55;
	v23 =	vadd.f32 v58, v57  }
0x161: {  	v24 =	vadd.f32 v60, v59;
	v25 =	vadd.f32 v62, v61  }
0x162: {  	v26 =	vadd.f32 v18, v63;
	v27 =	vadd.f32 v20, v19  }
0x163: {  	v0 =	vadd.f32 v21, v0;
	v28 =	vadd.f32 v23, v22  }
0x164: {  	v29 =	vadd.f32 v25, v24;
	v30 =	vadd.f32 v27, v26;
	_ =	sdelay $0x1  }
0x165: {  	v0 =	vadd.f32 v28, v0;
	v31 =	vadd.f32 v30, v29;
	_ =	sdelay $0x1  }
0x166: {  	v0 =	vadd.f32 v31, v0;
	_ =	sdelay $0x1  }
0x167: {  	[tilespmem:s17+$0x10040] =	vst v0  }
0x168: {  	v0 =	vld [tilespmem:s16+$0xFFFFFC50]  }
0x169: {  	v32 =	vld [tilespmem:s16+$0xFFFFFCD0]  }
0x16a: {  	v33 =	vld [tilespmem:s16+$0xFFFFFD50]  }
0x16b: {  	v34 =	vld [tilespmem:s16+$0xFFFFFDD0]  }
0x16c: {  	v35 =	vld [tilespmem:s16+$0xFFFFFE50]  }
0x16d: {  	v36 =	vld [tilespmem:s16+$0xFFFFFED0]  }
0x16e: {  	v37 =	vld [tilespmem:s16+$0xFFFFFF50]  }
0x16f: {  	v38 =	vld [tilespmem:s16+$0xFFFFFFD0]  }
0x170: {  	v39 =	vld [tilespmem:s16+$0x50]  }
0x171: {  	v40 =	vld [tilespmem:s16+$0xD0]  }
0x172: {  	v41 =	vld [tilespmem:s16+$0x150]  }
0x173: {  	v42 =	vld [tilespmem:s16+$0x1D0]  }
0x174: {  	v43 =	vld [tilespmem:s16+$0x250]  }
0x175: {  	v44 =	vld [tilespmem:s16+$0x2D0]  }
0x176: {  	v45 =	vld [tilespmem:s16+$0x350]  }
0x177: {  	v46 =	vld [tilespmem:s16+$0x3D0];
	_ =	sdelay $0x1  }
0x178: {  	v0 =	vadd.f32 v32, v0;
	v47 =	vadd.f32 v34, v33  }
0x179: {  	v48 =	vadd.f32 v36, v35;
	v49 =	vadd.f32 v38, v37  }
0x17a: {  	v50 =	vadd.f32 v40, v39;
	v51 =	vadd.f32 v42, v41  }
0x17b: {  	v52 =	vadd.f32 v44, v43;
	v53 =	vadd.f32 v46, v45  }
0x17c: {  	v0 =	vadd.f32 v47, v0;
	v54 =	vadd.f32 v49, v48  }
0x17d: {  	v55 =	vadd.f32 v51, v50;
	v56 =	vadd.f32 v53, v52;
	_ =	sdelay $0x1  }
0x17e: {  	v0 =	vadd.f32 v54, v0;
	v57 =	vadd.f32 v56, v55;
	_ =	sdelay $0x1  }
0x17f: {  	v0 =	vadd.f32 v57, v0;
	_ =	sdelay $0x1  }
0x180: {  	[tilespmem:s17+$0x10050] =	vst v0  }
0x181: {  	v0 =	vld [tilespmem:s16+$0xFFFFFC60]  }
0x182: {  	v58 =	vld [tilespmem:s16+$0xFFFFFCE0]  }
0x183: {  	v59 =	vld [tilespmem:s16+$0xFFFFFD60]  }
0x184: {  	v60 =	vld [tilespmem:s16+$0xFFFFFDE0]  }
0x185: {  	v61 =	vld [tilespmem:s16+$0xFFFFFE60]  }
0x186: {  	v62 =	vld [tilespmem:s16+$0xFFFFFEE0]  }
0x187: {  	v63 =	vld [tilespmem:s16+$0xFFFFFF60]  }
0x188: {  	v18 =	vld [tilespmem:s16+$0xFFFFFFE0]  }
0x189: {  	v19 =	vld [tilespmem:s16+$0x60]  }
0x18a: {  	v20 =	vld [tilespmem:s16+$0xE0]  }
0x18b: {  	v21 =	vld [tilespmem:s16+$0x160]  }
0x18c: {  	v22 =	vld [tilespmem:s16+$0x1E0]  }
0x18d: {  	v23 =	vld [tilespmem:s16+$0x260]  }
0x18e: {  	v24 =	vld [tilespmem:s16+$0x2E0]  }
0x18f: {  	v25 =	vld [tilespmem:s16+$0x360]  }
0x190: {  	v26 =	vld [tilespmem:s16+$0x3E0];
	_ =	sdelay $0x1  }
0x191: {  	v0 =	vadd.f32 v58, v0;
	v27 =	vadd.f32 v60, v59  }
0x192: {  	v28 =	vadd.f32 v62, v61;
	v29 =	vadd.f32 v18, v63  }
0x193: {  	v30 =	vadd.f32 v20, v19;
	v31 =	vadd.f32 v22, v21  }
0x194: {  	v32 =	vadd.f32 v24, v23;
	v33 =	vadd.f32 v26, v25  }
0x195: {  	v0 =	vadd.f32 v27, v0;
	v34 =	vadd.f32 v29, v28  }
0x196: {  	v35 =	vadd.f32 v31, v30;
	v36 =	vadd.f32 v33, v32;
	_ =	sdelay $0x1  }
0x197: {  	v0 =	vadd.f32 v34, v0;
	v37 =	vadd.f32 v36, v35;
	_ =	sdelay $0x1  }
0x198: {  	v0 =	vadd.f32 v37, v0;
	_ =	sdelay $0x1  }
0x199: {  	[tilespmem:s17+$0x10060] =	vst v0  }
0x19a: {  	v0 =	vld [tilespmem:s16+$0xFFFFFC70]  }
0x19b: {  	v38 =	vld [tilespmem:s16+$0xFFFFFCF0]  }
0x19c: {  	v39 =	vld [tilespmem:s16+$0xFFFFFD70]  }
0x19d: {  	v40 =	vld [tilespmem:s16+$0xFFFFFDF0]  }
0x19e: {  	v41 =	vld [tilespmem:s16+$0xFFFFFE70]  }
0x19f: {  	v42 =	vld [tilespmem:s16+$0xFFFFFEF0]  }
0x1a0: {  	v43 =	vld [tilespmem:s16+$0xFFFFFF70]  }
0x1a1: {  	v44 =	vld [tilespmem:s16+$0xFFFFFFF0]  }
0x1a2: {  	v45 =	vld [tilespmem:s16+$0x70]  }
0x1a3: {  	v46 =	vld [tilespmem:s16+$0xF0]  }
0x1a4: {  	v47 =	vld [tilespmem:s16+$0x170]  }
0x1a5: {  	v48 =	vld [tilespmem:s16+$0x1F0]  }
0x1a6: {  	v49 =	vld [tilespmem:s16+$0x270]  }
0x1a7: {  	v50 =	vld [tilespmem:s16+$0x2F0]  }
0x1a8: {  	v51 =	vld [tilespmem:s16+$0x370]  }
0x1a9: {  	v52 =	vld [tilespmem:s16+$0x3F0];
	_ =	sdelay $0x1  }
0x1aa: {  	v0 =	vadd.f32 v38, v0;
	v53 =	vadd.f32 v40, v39  }
0x1ab: {  	v54 =	vadd.f32 v42, v41;
	v55 =	vadd.f32 v44, v43  }
0x1ac: {  	v56 =	vadd.f32 v46, v45;
	v57 =	vadd.f32 v48, v47  }
0x1ad: {  	v58 =	vadd.f32 v50, v49;
	v59 =	vadd.f32 v52, v51  }
0x1ae: {  	v0 =	vadd.f32 v53, v0;
	v60 =	vadd.f32 v55, v54  }
0x1af: {  	v61 =	vadd.f32 v57, v56;
	v62 =	vadd.f32 v59, v58  }
0x1b0: {  	p0 =	sne.s32 s15, $0x1E00  }
.Ltmp1:
0x1b1: {  	v0 =	vadd.f32 v60, v0;
	v63 =	vadd.f32 v62, v61;
	(pc) =	sbr.rel @p0 .LBB2_5-.Ltmp1, $3  }
0x1b2: {  	_ = 	snop  }
0x1b3: {  	v0 =	vadd.f32 v63, v0;
	_ =	sdelay $0x1  }
0x1b4: {  	s15 =	sadd.s32 $0x200, s15;
	s16 =	sadd.s32 $0x800, s16;
	[tilespmem:s17+$0x10070] =	vst v0  }
0x1b5: {  	s13 =	sadd.s32 $0x1, s13  }
0x1b6: {  	s14 =	sshll.u32 s14, $0x8;
	p0 =	sne.s32 s13, $0x10  }
.Ltmp2:
0x1b7: {  	s14 =	sadd.s32 s14, s4;
	(pc) =	sbr.rel @p0 .LBB2_2-.Ltmp2, $4  }
0x1b8: {  	[hbm4b:s14+s2] =	stream.linear.scatter [tilespmem:s9], [sflag:$0x3], $0x800, $0x38;
	[tilespmem:$0x10800] =	vst v63  }
0x1b9: {  	_ =	swait.ge [sflag:s10], $0x800  }
0x1ba: {  	[sflag:s10] =	ssyncset.done $0x0  }
0x1bb: {  	[sflag:s10] =	ssyncadd.s32 $0xFFFFF800  }
0x1bc: {  	s12 =	sadd.s32 $0x1, s12  }
0x1bd: {  	p0 =	sne.s32 s12, s6  }
.Ltmp3:
0x1be: {  	_ = 	snop;
	(pc) =	sbr.rel @p0 .LBB2_1-.Ltmp3, $1  }
0x1bf: {  	_ =	sdelay $0x3  }
0x1c0: {  	_ =	sfence.sel $0x180000  }
0x1c1: {  	[bflag:$0x0] =	sbarrier.arrive $0xFFFF  }
0x1c2: {  	p0 =	sne.s32 s1, $0x0;
	_ =	strace $0x90000047  }
0x1c3: {  	s0 =	sadd.s32 @!p0 $0x100000, s0;
	[bflag:$0x2] =	sbarrier.arrive $0xFFFF  }
0x1c4: {  	[sflag:s0] =	ssyncadd.tile.s32 @!p0 $0x1;
	_ =	shalt  }
.Lfunc_end2:
_tile_overlayer_lowered:
.L_overlay_start_2:
0x1c5: {  	(tag) =	ssettag $0x2  }
0x1c6: {  	s0 =	rddreg [dreg:$0x0];
	s2 =	stileid.u32  }
0x1c7: {  	s1 =	rddreg [dreg:$0x1];
	p0 =	sne.s32 s2, $0x0  }
0x1c8: {  	s3 =	rddreg [dreg:$0x2];
	[bflag:$0x3] =	sbarrier.arrive $0xFFFF;
	s2 =	simm.s32 @!p0 $0x1C03  }
0x1c9: {  	[timem:s3], [sflag:s2] =	dma.local @!p0 [hbm:s0], s1  }
0x1ca: {  	s0 =	simm.s32 @!p0 $0x3  }
0x1cb: {  	_ =	swait.ge @!p0 [sflag:s0], s1  }
0x1cc: {  	s1 =	ssub.s32 @!p0 $0x0, s1;
	[sflag:s0] =	ssyncset.done @!p0 $0x0  }
0x1cd: {  	[sflag:s0] =	ssyncadd.s32 @!p0 s1  }
0x1ce: {  	[bflag:$0x3] =	sbarrier.arrive $0xFFFF  }
0x1cf: {  	_ =	shalt  }

</sc_bundles>
